<compile_context>
chip_gen: v7x
topology: tpu7x:2x2x1
jax: 0.10.2.dev20260603
libtpu: 0.0.44.dev20260713+nightly
codegen_flags: <defaults>
</compile_context>

<pallas_src>
import dataclasses

import jax
import jax.numpy as jnp
from jax import lax
from jax.experimental import pallas as pl
from jax.experimental.pallas import tpu as pltpu
from jax.experimental.pallas import tpu_sc as plsc

N = 10000
E = 320000
D = 128
DELTA = 2.5
EPS = 1e-5

NC = 2
NS = 16
NW = NC * NS
EPW = E // NW
G = 80
NCHUNK = EPW // G
FPW = D // NW
D2 = D // 2
FPP = D2 // NW
NEGW = int(0xFF7FFF7F) - (1 << 32)
CH = 2000
NCH = E // CH
RPS = 624
RTAIL = N - NS * RPS

_sc_mesh = plsc.VectorSubcoreMesh(core_axis_name="c", subcore_axis_name="s")

_sc_params = pltpu.CompilerParams()
if "needs_layout_passes" in pltpu.CompilerParams.__dataclass_fields__:
    _sc_params = dataclasses.replace(_sc_params, needs_layout_passes=False)



def _pre_body(ndata_ref, mw_ref, p_ref, q_ref, ptp_ref):
    x = ndata_ref[...]
    mw = mw_ref[...]
    p = jnp.dot(x, mw[:D], preferred_element_type=jnp.float32)
    p_ref[...] = p
    q_ref[...] = jnp.dot(x, mw[D:], preferred_element_type=jnp.float32)
    pb = p.T.astype(jnp.bfloat16)
    lo = lax.bitcast_convert_type(pb[:D2], jnp.uint16).astype(jnp.uint32)
    hi = lax.bitcast_convert_type(pb[D2:], jnp.uint16).astype(jnp.uint32)
    ptp_ref[...] = lax.bitcast_convert_type(lo | (hi << 16), jnp.int32)


def _pre(ndata, M_w):
    return pl.pallas_call(
        _pre_body,
        out_shape=(
            jax.ShapeDtypeStruct((N, D), jnp.float32),
            jax.ShapeDtypeStruct((N, D), jnp.float32),
            jax.ShapeDtypeStruct((D2, N), jnp.int32),
        ),
    )(ndata, M_w)


def _post_deg_body(deg_ref, dinv_ref, amp_ref):
    d = deg_ref[...] + 1.0
    dinv_ref[...] = jnp.broadcast_to(1.0 / d, (N, D))
    amp_ref[...] = jnp.broadcast_to(jnp.log1p(d) / DELTA, (N, D))


def _post_mean_body(p_ref, q_ref, s_ref, mb_ref, dinv_ref, amp_ref,
                    mean_ref, amean_ref):
    qb = q_ref[...] + mb_ref[...][None, :]
    mean = (s_ref[0] + s_ref[1] + p_ref[...]) * dinv_ref[...] + qb
    mean_ref[...] = mean
    amean_ref[...] = amp_ref[...] * mean


def _post_max_body(p_ref, q_ref, mxt_ref, mb_ref, amp_ref, mx_ref, amx_ref):
    qb = q_ref[...] + mb_ref[...][None, :]
    w = mxt_ref[...]
    lo = lax.bitcast_convert_type(lax.shift_left(w, 16), jnp.float32)
    hi = lax.bitcast_convert_type(
        lax.bitwise_and(w, jnp.int32(-65536)), jnp.float32)
    mxt = jnp.concatenate([lo, hi], axis=0)
    mx = jnp.maximum(mxt.T, p_ref[...]) + qb
    mx_ref[...] = mx
    amx_ref[...] = amp_ref[...] * mx


def _post_b_body(ndata_ref, mean_ref, mx_ref, amean_ref, amx_ref,
                 uw_ref, ub_ref, g_ref, b_ref, mixw_ref, mixb_ref, out_ref):
    ndata = ndata_ref[...]
    uw = uw_ref[...]
    h = (
        jnp.dot(ndata, uw[0 * D:1 * D], preferred_element_type=jnp.float32)
        + jnp.dot(mean_ref[...], uw[1 * D:2 * D] + uw[3 * D:4 * D],
                  preferred_element_type=jnp.float32)
        + jnp.dot(mx_ref[...], uw[2 * D:3 * D], preferred_element_type=jnp.float32)
        + jnp.dot(amean_ref[...], uw[4 * D:5 * D] + uw[6 * D:7 * D],
                  preferred_element_type=jnp.float32)
        + jnp.dot(amx_ref[...], uw[5 * D:6 * D], preferred_element_type=jnp.float32)
        + ub_ref[...][None, :]
    )
    mu = jnp.mean(h, axis=0, keepdims=True)
    var = jnp.mean((h - mu) ** 2, axis=0, keepdims=True)
    h = (h - mu) * lax.rsqrt(var + EPS) * g_ref[...][None, :] + b_ref[...][None, :]
    h = jnp.dot(h, mixw_ref[...], preferred_element_type=jnp.float32) + mixb_ref[...][None, :]
    h = jnp.where(h >= 0, h, 0.01 * h)
    out_ref[...] = h + ndata


def _post(ndata, p, q, sums, mxT, deg2d, M_b, U_w, U_b, bn_gamma, bn_beta,
          mix_w, mix_b):
    dinv, amp = pl.pallas_call(
        _post_deg_body,
        out_shape=(jax.ShapeDtypeStruct((N, D), jnp.float32),) * 2,
    )(deg2d)
    mean, amean = pl.pallas_call(
        _post_mean_body,
        out_shape=(jax.ShapeDtypeStruct((N, D), jnp.float32),) * 2,
    )(p, q, sums, M_b, dinv, amp)
    mx, amx = pl.pallas_call(
        _post_max_body,
        out_shape=(jax.ShapeDtypeStruct((N, D), jnp.float32),) * 2,
    )(p, q, mxT, M_b, amp)
    return pl.pallas_call(
        _post_b_body,
        out_shape=jax.ShapeDtypeStruct((N, D), jnp.float32),
    )(ndata, mean, mx, amean, amx, U_w, U_b, bn_gamma, bn_beta, mix_w, mix_b)



def _sc_sum_body(p_hbm, src_hbm, dst_hbm, zeros_hbm, sum_out,
                 src_v, dst_v, rows_v, sum_sh):
    c = lax.axis_index("c")
    s = lax.axis_index("s")
    wid = s * NC + c
    pltpu.sync_copy(zeros_hbm.at[pl.ds(s * RPS, RPS)],
                    sum_sh.at[pl.ds(s * RPS, RPS)])

    @pl.when(s == 0)
    def _ztail():
        pltpu.sync_copy(zeros_hbm.at[pl.ds(NS * RPS, RTAIL)],
                        sum_sh.at[pl.ds(NS * RPS, RTAIL)])

    plsc.subcore_barrier()

    base = wid * EPW

    @pl.loop(0, NCHUNK)
    def _chunk(ci):
        off = base + ci * G
        pltpu.sync_copy(src_hbm.at[pl.ds(off, G)], src_v)
        pltpu.sync_copy(dst_hbm.at[pl.ds(off, G)], dst_v)
        pltpu.sync_copy(p_hbm.at[src_v], rows_v)
        pltpu.sync_copy(rows_v, sum_sh.at[dst_v], add=True)

    plsc.subcore_barrier()
    pltpu.sync_copy(sum_sh.at[pl.ds(s * RPS, RPS)],
                    sum_out.at[c, pl.ds(s * RPS, RPS)])

    @pl.when(s == 0)
    def _dtail():
        pltpu.sync_copy(sum_sh.at[pl.ds(NS * RPS, RTAIL)],
                        sum_out.at[c, pl.ds(NS * RPS, RTAIL)])


def _sc_sum(p, src, dst, zeros):
    return pl.kernel(
        _sc_sum_body,
        out_type=jax.ShapeDtypeStruct((NC, N, D), jnp.float32),
        mesh=_sc_mesh,
        scratch_types=[
            pltpu.VMEM((G,), jnp.int32),
            pltpu.VMEM((G,), jnp.int32),
            pltpu.VMEM((G, D), jnp.float32),
            pltpu.VMEM_SHARED((N, D), jnp.float32),
        ],
    )(p, src, dst, zeros)


def _sc_max_body(ptf_hbm, src_hbm, dst_hbm, mxt_out, deg_out,
                 pt_v, acc_v, deg_v, src_v, dst_v, src_w, dst_w, sem0, sem1):
    c = lax.axis_index("c")
    s = lax.axis_index("s")
    wid = s * NC + c
    fbase = wid * FPP
    pltpu.sync_copy(ptf_hbm.at[pl.ds(fbase * N, FPP * N)], pt_v)

    neg = jnp.full((16,), NEGW, jnp.int32)
    zero = jnp.zeros((16,), jnp.float32)
    one = jnp.ones((16,), jnp.float32)

    @pl.loop(0, FPP * N, step=16)
    def _init(i):
        acc_v[pl.ds(i, 16)] = neg

    @pl.loop(0, N, step=16)
    def _dinit(i):
        deg_v[pl.ds(i, 16)] = zero

    def _start(ci, sbuf, dbuf, sem):
        pltpu.async_copy(src_hbm.at[pl.ds(ci * CH, CH)], sbuf, sem)
        pltpu.async_copy(dst_hbm.at[pl.ds(ci * CH, CH)], dbuf, sem)

    def _wait(sbuf, dbuf, sem):
        pltpu.make_async_copy(src_hbm.at[pl.ds(0, CH)], sbuf, sem).wait()
        pltpu.make_async_copy(dst_hbm.at[pl.ds(0, CH)], dbuf, sem).wait()

    def _process(src_v, dst_v):
        @pl.loop(0, CH, step=16)
        def _group(e):
            s16 = src_v[pl.ds(e, 16)]
            d16 = dst_v[pl.ds(e, 16)]
            counts, _ = plsc.scan_count(d16)
            cbase = jnp.min(counts)
            cmax = jnp.max(counts)
            vals = [
                plsc.bitcast(plsc.load_gather(pt_v, [s16 + (f * N)]),
                             jnp.bfloat16)
                for f in range(FPP)
            ]
            didx = [d16 + (f * N) for f in range(FPP)]

            def one_round(m):
                for f in range(FPP):
                    old = plsc.bitcast(plsc.load_gather(acc_v, [didx[f]]),
                                       jnp.bfloat16)
                    new = plsc.bitcast(jnp.maximum(old, vals[f]), jnp.int32)
                    plsc.store_scatter(acc_v, [didx[f]], new, mask=m)

                @pl.when(wid == 0)
                def _deg():
                    plsc.addupdate_scatter(deg_v, [d16], one, mask=m)

            one_round(counts == cbase)

            @pl.when(cmax > cbase)
            def _rare():
                @pl.loop(1, 16)
                def _round(r):
                    one_round(counts == cbase + r)

    _start(0, src_v, dst_v, sem0)

    @pl.loop(0, NCH, step=2)
    def _chunk(ci):
        _start(ci + 1, src_w, dst_w, sem1)
        _wait(src_v, dst_v, sem0)
        _process(src_v, dst_v)

        @pl.when(ci + 2 < NCH)
        def _pf():
            _start(ci + 2, src_v, dst_v, sem0)

        _wait(src_w, dst_w, sem1)
        _process(src_w, dst_w)

    pltpu.sync_copy(acc_v, mxt_out.at[pl.ds(fbase * N, FPP * N)])

    @pl.when(wid == 0)
    def _ddump():
        pltpu.sync_copy(deg_v, deg_out)


def _sc_max(ptf, src, dst):
    return pl.kernel(
        _sc_max_body,
        out_type=(
            jax.ShapeDtypeStruct((D2 * N,), jnp.int32),
            jax.ShapeDtypeStruct((N,), jnp.float32),
        ),
        mesh=_sc_mesh,
        compiler_params=_sc_params,
        scratch_types=[
            pltpu.VMEM((FPP * N,), jnp.int32),
            pltpu.VMEM((FPP * N,), jnp.int32),
            pltpu.VMEM((N,), jnp.float32),
            pltpu.VMEM((CH,), jnp.int32),
            pltpu.VMEM((CH,), jnp.int32),
            pltpu.VMEM((CH,), jnp.int32),
            pltpu.VMEM((CH,), jnp.int32),
            pltpu.SemaphoreType.DMA,
            pltpu.SemaphoreType.DMA,
        ],
    )(ptf, src, dst)



def kernel(ndata, edge_index, M_w, M_b, U_w, U_b, bn_gamma, bn_beta, mix_w,
           mix_b):
    src = edge_index[0]
    dst = edge_index[1]
    p, q, ptp = _pre(ndata, M_w)
    zeros = jnp.zeros((N, D), jnp.float32)
    sums = _sc_sum(p, src, dst, zeros)
    mxtf, deg = _sc_max(ptp.reshape(D2 * N), src, dst)
    return _post(ndata, p, q, sums, mxtf.reshape(D2, N), deg.reshape(N, 1),
                 M_b, U_w, U_b, bn_gamma, bn_beta, mix_w, mix_b)

# --- scband reference (transcript-rebuilt; emitter-appended) ---
"""Pipeline reference for scband-pnablock-70600672411874 (READ-ONLY COPY).

The authoritative reference and input builder live on the scoring server;
editing this copy changes nothing except your own understanding.
"""

import jax, jax.numpy as jnp
import numpy as np

N = 10000
E = 320000
D_IN = 128
D_OUT = 128
DELTA = 2.5
EPS = 1e-5


def setup_inputs(seed: int = 0):
    key = jax.random.key(seed)
    ks = jax.random.split(key, 10)
    ndata = jax.random.normal(ks[0], (N, D_IN), dtype=jnp.float32)
    edge_index = jax.random.randint(ks[1], (2, E), 0, N, dtype=jnp.int32)
    sM = 1.0 / np.sqrt(2 * D_IN)
    M_w = jax.random.uniform(ks[2], (2 * D_IN, D_IN), minval=-sM, maxval=sM, dtype=jnp.float32)
    M_b = jax.random.uniform(ks[3], (D_IN,), minval=-sM, maxval=sM, dtype=jnp.float32)
    sU = 1.0 / np.sqrt(7 * D_IN)
    U_w = jax.random.uniform(ks[4], (7 * D_IN, D_OUT), minval=-sU, maxval=sU, dtype=jnp.float32)
    U_b = jax.random.uniform(ks[5], (D_OUT,), minval=-sU, maxval=sU, dtype=jnp.float32)
    bn_gamma = jnp.ones((D_OUT,), dtype=jnp.float32)
    bn_beta = jnp.zeros((D_OUT,), dtype=jnp.float32)
    sX = 1.0 / np.sqrt(D_OUT)
    mix_w = jax.random.uniform(ks[6], (D_OUT, D_OUT), minval=-sX, maxval=sX, dtype=jnp.float32)
    mix_b = jax.random.uniform(ks[7], (D_OUT,), minval=-sX, maxval=sX, dtype=jnp.float32)
    return {"ndata": ndata, "edge_index": edge_index, "M_w": M_w, "M_b": M_b,
            "U_w": U_w, "U_b": U_b, "bn_gamma": bn_gamma, "bn_beta": bn_beta,
            "mix_w": mix_w, "mix_b": mix_b}


def reference(ndata, edge_index, M_w, M_b, U_w, U_b, bn_gamma, bn_beta, mix_w, mix_b):
    # dgl.add_self_loop
    self_loops = jnp.arange(N, dtype=edge_index.dtype)
    src = jnp.concatenate([edge_index[0], self_loops])
    dst = jnp.concatenate([edge_index[1], self_loops])
    # PNAConvTower message: M(cat(h_src, h_dst))
    h_src = jnp.take(ndata, src, axis=0)
    h_dst = jnp.take(ndata, dst, axis=0)
    msg = jnp.concatenate([h_src, h_dst], axis=-1) @ M_w + M_b
    # reduce: aggregators ['mean','max','mean'], then scalers ['identity','amplification']
    deg = jax.ops.segment_sum(jnp.ones((src.shape[0],), dtype=jnp.float32), dst, num_segments=N)
    safe_deg = jnp.maximum(deg, 1.0)
    agg_sum = jax.ops.segment_sum(msg, dst, num_segments=N)
    agg_mean = agg_sum / safe_deg[:, None]
    agg_max = jax.ops.segment_max(msg, dst, num_segments=N)
    agg_max = jnp.where(jnp.isfinite(agg_max), agg_max, 0.0)
    agg = jnp.concatenate([agg_mean, agg_max, agg_mean], axis=-1)
    amp = jnp.log(deg + 1.0)[:, None] / DELTA
    h_neigh = jnp.concatenate([agg, agg * amp], axis=-1)
    # U on cat(node_feat, h_neigh)
    h = jnp.concatenate([ndata, h_neigh], axis=-1) @ U_w + U_b
    # BatchNorm1d (training-mode batch statistics, biased var)
    mu = jnp.mean(h, axis=0)
    var = jnp.var(h, axis=0)
    h = (h - mu) / jnp.sqrt(var + EPS) * bn_gamma + bn_beta
    # mixing layer: Linear + LeakyReLU(0.01)
    h = h @ mix_w + mix_b
    h = jnp.where(h >= 0, h, 0.01 * h)
    # residual (in_size == out_size)
    return h + ndata

if __name__ == "__main__":
    import jax
    _d = setup_inputs()
    print(jax.jit(kernel)(*tuple(_d.values())))

</pallas_src>

<mosaic_0001>
#map = affine_map<(d0, d1) -> (0)>
module attributes {stable_mosaic.version = 14 : i64} {
  func.func @_sc_max_body(%arg0: i32, %arg1: i32, %arg2: memref<640000xi32, #tpu.memory_space<hbm>>, %arg3: memref<320000xi32, #tpu.memory_space<hbm>>, %arg4: memref<320000xi32, #tpu.memory_space<hbm>>, %arg5: memref<640000xi32, #tpu.memory_space<hbm>>, %arg6: memref<10000xf32, #tpu.memory_space<hbm>>, %arg7: memref<20000xi32, #tpu.memory_space<vmem>>, %arg8: memref<20000xi32, #tpu.memory_space<vmem>>, %arg9: memref<10000xf32, #tpu.memory_space<vmem>>, %arg10: memref<2000xi32, #tpu.memory_space<vmem>>, %arg11: memref<2000xi32, #tpu.memory_space<vmem>>, %arg12: memref<2000xi32, #tpu.memory_space<vmem>>, %arg13: memref<2000xi32, #tpu.memory_space<vmem>>, %arg14: memref<!tpu.dma_semaphore, #tpu.memory_space<semaphore_mem>>, %arg15: memref<!tpu.dma_semaphore, #tpu.memory_space<semaphore_mem>>) attributes {dimension_semantics = [#tpu.dimension_semantics<core_parallel>, #tpu.dimension_semantics<subcore_parallel>], iteration_bounds = array<i64: 2, 16>, scalar_prefetch = 0 : i64, scratch_operands = 9 : i64, tpu.core_type = #tpu.core_type<sc_vector_subcore>, window_params = [{transform_indices = #map}, {transform_indices = #map}, {transform_indices = #map}, {transform_indices = #map}, {transform_indices = #map}]} {
    %mul3A = arith.constant 2 : i32
    %mul3A_0 = arith.muli %arg1, %mul3A : i32
    %add3A = arith.addi %mul3A_0, %arg0 : i32
    %mul3A_1 = arith.constant 2 : i32
    %mul3A_2 = arith.muli %add3A, %mul3A_1 : i32
    %mul3A_3 = arith.constant 10000 : i32
    %mul3A_4 = arith.muli %mul3A_2, %mul3A_3 : i32
    "tpu.region"() ({
      %run_scoped3A = tpu.sem_alloc : memref<!tpu.dma_semaphore, #tpu.memory_space<semaphore_mem>>
      %dma_start3A_35 = tpu.memref_slice %arg2[%mul3A_4] : memref<640000xi32, #tpu.memory_space<hbm>> -> memref<20000xi32, #tpu.memory_space<hbm>>
      %dma_start3A_36 = tpu.memref_slice %arg2[%mul3A_4] : memref<640000xi32, #tpu.memory_space<hbm>> -> memref<20000xi32, #tpu.memory_space<hbm>>
      tpu.enqueue_dma source(%dma_start3A_36 : memref<20000xi32, #tpu.memory_space<hbm>>) target(%arg7 : memref<20000xi32, #tpu.memory_space<vmem>>) target_semaphore(%run_scoped3A : memref<!tpu.dma_semaphore, #tpu.memory_space<semaphore_mem>>)
      %dma_wait3A = tpu.memref_slice %arg2[%mul3A_4] : memref<640000xi32, #tpu.memory_space<hbm>> -> memref<20000xi32, #tpu.memory_space<hbm>>
      %dma_wait3A_37 = tpu.memref_slice %arg2[%mul3A_4] : memref<640000xi32, #tpu.memory_space<hbm>> -> memref<20000xi32, #tpu.memory_space<hbm>>
      tpu.wait_dma2 semaphore(%run_scoped3A : memref<!tpu.dma_semaphore, #tpu.memory_space<semaphore_mem>>) src(%dma_wait3A_37 : memref<20000xi32, #tpu.memory_space<hbm>>) dst(%arg7 : memref<20000xi32, #tpu.memory_space<vmem>>)
      tpu.yield
    }) : () -> ()
    %broadcast_in_dim3A = arith.constant -8388737 : i32
    %broadcast_in_dim3A_5 = vector.broadcast %broadcast_in_dim3A : i32 to vector<16xi32>
    %broadcast_in_dim3A_6 = arith.constant 0.000000e+00 : f32
    %broadcast_in_dim3A_7 = vector.broadcast %broadcast_in_dim3A_6 : f32 to vector<16xf32>
    %broadcast_in_dim3A_8 = arith.constant 1.000000e+00 : f32
    %broadcast_in_dim3A_9 = vector.broadcast %broadcast_in_dim3A_8 : f32 to vector<16xf32>
    %scan3A = arith.constant 0 : i32
    %scan3A_10 = arith.constant 1250 : i32
    %scan3A_11 = arith.addi %scan3A, %scan3A_10 : i32
    %scan3A_12 = arith.constant 1 : i32
    scf.for %scan3A_35 = %scan3A to %scan3A_11 step %scan3A_12  : i32 {
      %mul3A_36 = arith.constant 16 : i32
      %mul3A_37 = arith.muli %scan3A_35, %mul3A_36 : i32
      %add3A_38 = arith.constant 0 : i32
      %add3A_39 = arith.addi %add3A_38, %mul3A_37 : i32
      %swap3A = arith.index_cast %add3A_39 : i32 to index
      %swap3A_40 = tpu.vector_load %arg8[%swap3A] {strides = array<i32>} : memref<20000xi32, #tpu.memory_space<vmem>>, vector<16xi32>,
      tpu.vector_store %arg8[%swap3A], %broadcast_in_dim3A_5 {strides = array<i32>} : memref<20000xi32, #tpu.memory_space<vmem>>, vector<16xi32>,
    }
    %scan3A_13 = arith.constant 1250 : i32
    %scan3A_14 = arith.constant 0 : i32
    %scan3A_15 = arith.constant 625 : i32
    %scan3A_16 = arith.addi %scan3A_14, %scan3A_15 : i32
    %scan3A_17 = arith.constant 1 : i32
    scf.for %scan3A_35 = %scan3A_14 to %scan3A_16 step %scan3A_17  : i32 {
      %mul3A_36 = arith.constant 16 : i32
      %mul3A_37 = arith.muli %scan3A_35, %mul3A_36 : i32
      %add3A_38 = arith.constant 0 : i32
      %add3A_39 = arith.addi %add3A_38, %mul3A_37 : i32
      %swap3A = arith.index_cast %add3A_39 : i32 to index
      %swap3A_40 = tpu.vector_load %arg9[%swap3A] {strides = array<i32>} : memref<10000xf32, #tpu.memory_space<vmem>>, vector<16xf32>,
      tpu.vector_store %arg9[%swap3A], %broadcast_in_dim3A_7 {strides = array<i32>} : memref<10000xf32, #tpu.memory_space<vmem>>, vector<16xf32>,
    }
    %scan3A_18 = arith.constant 625 : i32
    %dma_start3A = arith.constant 0 : i32
    %dma_start3A_19 = tpu.memref_slice %arg3[%dma_start3A] : memref<320000xi32, #tpu.memory_space<hbm>> -> memref<2000xi32, #tpu.memory_space<hbm>>
    %dma_start3A_20 = arith.constant 0 : i32
    %dma_start3A_21 = tpu.memref_slice %arg3[%dma_start3A_20] : memref<320000xi32, #tpu.memory_space<hbm>> -> memref<2000xi32, #tpu.memory_space<hbm>>
    tpu.enqueue_dma source(%dma_start3A_21 : memref<2000xi32, #tpu.memory_space<hbm>>) target(%arg10 : memref<2000xi32, #tpu.memory_space<vmem>>) target_semaphore(%arg14 : memref<!tpu.dma_semaphore, #tpu.memory_space<semaphore_mem>>)
    %dma_start3A_22 = arith.constant 0 : i32
    %dma_start3A_23 = tpu.memref_slice %arg4[%dma_start3A_22] : memref<320000xi32, #tpu.memory_space<hbm>> -> memref<2000xi32, #tpu.memory_space<hbm>>
    %dma_start3A_24 = arith.constant 0 : i32
    %dma_start3A_25 = tpu.memref_slice %arg4[%dma_start3A_24] : memref<320000xi32, #tpu.memory_space<hbm>> -> memref<2000xi32, #tpu.memory_space<hbm>>
    tpu.enqueue_dma source(%dma_start3A_25 : memref<2000xi32, #tpu.memory_space<hbm>>) target(%arg11 : memref<2000xi32, #tpu.memory_space<vmem>>) target_semaphore(%arg14 : memref<!tpu.dma_semaphore, #tpu.memory_space<semaphore_mem>>)
    %scan3A_26 = arith.constant 0 : i32
    %scan3A_27 = arith.constant 80 : i32
    %scan3A_28 = arith.addi %scan3A_26, %scan3A_27 : i32
    %scan3A_29 = arith.constant 1 : i32
    scf.for %scan3A_35 = %scan3A_26 to %scan3A_28 step %scan3A_29  : i32 {
      %mul3A_36 = arith.constant 2 : i32
      %mul3A_37 = arith.muli %scan3A_35, %mul3A_36 : i32
      %add3A_38 = arith.constant 0 : i32
      %add3A_39 = arith.addi %add3A_38, %mul3A_37 : i32
      %add3A_40 = arith.constant 1 : i32
      %add3A_41 = arith.addi %add3A_39, %add3A_40 : i32
      %mul3A_42 = arith.constant 2000 : i32
      %mul3A_43 = arith.muli %add3A_41, %mul3A_42 : i32
      %dma_start3A_44 = tpu.memref_slice %arg3[%mul3A_43] : memref<320000xi32, #tpu.memory_space<hbm>> -> memref<2000xi32, #tpu.memory_space<hbm>>
      %dma_start3A_45 = tpu.memref_slice %arg3[%mul3A_43] : memref<320000xi32, #tpu.memory_space<hbm>> -> memref<2000xi32, #tpu.memory_space<hbm>>
      tpu.enqueue_dma source(%dma_start3A_45 : memref<2000xi32, #tpu.memory_space<hbm>>) target(%arg12 : memref<2000xi32, #tpu.memory_space<vmem>>) target_semaphore(%arg15 : memref<!tpu.dma_semaphore, #tpu.memory_space<semaphore_mem>>)
      %mul3A_46 = arith.constant 2000 : i32
      %mul3A_47 = arith.muli %add3A_41, %mul3A_46 : i32
      %dma_start3A_48 = tpu.memref_slice %arg4[%mul3A_47] : memref<320000xi32, #tpu.memory_space<hbm>> -> memref<2000xi32, #tpu.memory_space<hbm>>
      %dma_start3A_49 = tpu.memref_slice %arg4[%mul3A_47] : memref<320000xi32, #tpu.memory_space<hbm>> -> memref<2000xi32, #tpu.memory_space<hbm>>
      tpu.enqueue_dma source(%dma_start3A_49 : memref<2000xi32, #tpu.memory_space<hbm>>) target(%arg13 : memref<2000xi32, #tpu.memory_space<vmem>>) target_semaphore(%arg15 : memref<!tpu.dma_semaphore, #tpu.memory_space<semaphore_mem>>)
      %dma_wait3A = arith.constant 0 : i32
      %dma_wait3A_50 = tpu.memref_slice %arg3[%dma_wait3A] : memref<320000xi32, #tpu.memory_space<hbm>> -> memref<2000xi32, #tpu.memory_space<hbm>>
      %dma_wait3A_51 = arith.constant 0 : i32
      %dma_wait3A_52 = tpu.memref_slice %arg3[%dma_wait3A_51] : memref<320000xi32, #tpu.memory_space<hbm>> -> memref<2000xi32, #tpu.memory_space<hbm>>
      tpu.wait_dma2 semaphore(%arg14 : memref<!tpu.dma_semaphore, #tpu.memory_space<semaphore_mem>>) src(%dma_wait3A_52 : memref<2000xi32, #tpu.memory_space<hbm>>) dst(%arg10 : memref<2000xi32, #tpu.memory_space<vmem>>)
      %dma_wait3A_53 = arith.constant 0 : i32
      %dma_wait3A_54 = tpu.memref_slice %arg4[%dma_wait3A_53] : memref<320000xi32, #tpu.memory_space<hbm>> -> memref<2000xi32, #tpu.memory_space<hbm>>
      %dma_wait3A_55 = arith.constant 0 : i32
      %dma_wait3A_56 = tpu.memref_slice %arg4[%dma_wait3A_55] : memref<320000xi32, #tpu.memory_space<hbm>> -> memref<2000xi32, #tpu.memory_space<hbm>>
      tpu.wait_dma2 semaphore(%arg14 : memref<!tpu.dma_semaphore, #tpu.memory_space<semaphore_mem>>) src(%dma_wait3A_56 : memref<2000xi32, #tpu.memory_space<hbm>>) dst(%arg11 : memref<2000xi32, #tpu.memory_space<vmem>>)
      %scan3A_57 = arith.constant 0 : i32
      %scan3A_58 = arith.constant 125 : i32
      %scan3A_59 = arith.addi %scan3A_57, %scan3A_58 : i32
      %scan3A_60 = arith.constant 1 : i32
      scf.for %scan3A_81 = %scan3A_57 to %scan3A_59 step %scan3A_60  : i32 {
        %mul3A_82 = arith.constant 16 : i32
        %mul3A_83 = arith.muli %scan3A_81, %mul3A_82 : i32
        %add3A_84 = arith.constant 0 : i32
        %add3A_85 = arith.addi %add3A_84, %mul3A_83 : i32
        %get3A = arith.index_cast %add3A_85 : i32 to index
        %get3A_86 = tpu.vector_load %arg10[%get3A] {strides = array<i32>} : memref<2000xi32, #tpu.memory_space<vmem>>, vector<16xi32>,
        %get3A_87 = arith.index_cast %add3A_85 : i32 to index
        %get3A_88 = tpu.vector_load %arg11[%get3A_87] {strides = array<i32>} : memref<2000xi32, #tpu.memory_space<vmem>>, vector<16xi32>,
        %broadcast_in_dim3A_89 = arith.constant true
        %broadcast_in_dim3A_90 = vector.broadcast %broadcast_in_dim3A_89 : i1 to vector<16xi1>
        %unique3A, %unique3A_91 = tpu.scan_count mask(%broadcast_in_dim3A_90 : vector<16xi1>) value(%get3A_88 : vector<16xi32>) : vector<16xi1>, vector<16xi32>
        %reduce_min3A = arith.constant true
        %reduce_min3A_92 = vector.broadcast %reduce_min3A : i1 to vector<16xi1>
        %reduce_min3A_93 = arith.constant -2147483648 : i32
        %reduce_min3A_94 = vector.broadcast %reduce_min3A_93 : i32 to vector<16xi32>
        %reduce_min3A_95 = arith.xori %unique3A_91, %reduce_min3A_94 : vector<16xi32>
        %reduce_min3A_96 = tpu.scan <min>, %reduce_min3A_95 masked %reduce_min3A_92 : vector<16xi32>, vector<16xi1> -> vector<16xi32>
        %reduce_min3A_97 = arith.xori %reduce_min3A_96, %reduce_min3A_94 : vector<16xi32>
        %reduce_min3A_98 = vector.extract %reduce_min3A_97[15] : i32 from vector<16xi32>
        %reduce_max3A = arith.constant true
        %reduce_max3A_99 = vector.broadcast %reduce_max3A : i1 to vector<16xi1>
        %reduce_max3A_100 = arith.constant -2147483648 : i32
        %reduce_max3A_101 = vector.broadcast %reduce_max3A_100 : i32 to vector<16xi32>
        %reduce_max3A_102 = arith.xori %unique3A_91, %reduce_max3A_101 : vector<16xi32>
        %reduce_max3A_103 = tpu.scan <max>, %reduce_max3A_102 masked %reduce_max3A_99 : vector<16xi32>, vector<16xi1> -> vector<16xi32>
        %reduce_max3A_104 = arith.xori %reduce_max3A_103, %reduce_max3A_101 : vector<16xi32>
        %reduce_max3A_105 = vector.extract %reduce_max3A_104[15] : i32 from vector<16xi32>
        %add3A_106 = arith.constant 0 : i32
        %add3A_107 = vector.broadcast %add3A_106 : i32 to vector<16xi32>
        %add3A_108 = arith.addi %get3A_86, %add3A_107 : vector<16xi32>
        %gather3A = tpu.vector_load_idx %arg7[%add3A_108] : memref<20000xi32, #tpu.memory_space<vmem>>[vector<16xi32>], vector<16xi32>,
        %bitcast3A = vector.bitcast %gather3A : vector<16xi32> to vector<32xbf16>
        %add3A_109 = arith.constant 10000 : i32
        %add3A_110 = vector.broadcast %add3A_109 : i32 to vector<16xi32>
        %add3A_111 = arith.addi %get3A_86, %add3A_110 : vector<16xi32>
        %gather3A_112 = tpu.vector_load_idx %arg7[%add3A_111] : memref<20000xi32, #tpu.memory_space<vmem>>[vector<16xi32>], vector<16xi32>,
        %bitcast3A_113 = vector.bitcast %gather3A_112 : vector<16xi32> to vector<32xbf16>
        %add3A_114 = arith.constant 0 : i32
        %add3A_115 = vector.broadcast %add3A_114 : i32 to vector<16xi32>
        %add3A_116 = arith.addi %get3A_88, %add3A_115 : vector<16xi32>
        %add3A_117 = arith.constant 10000 : i32
        %add3A_118 = vector.broadcast %add3A_117 : i32 to vector<16xi32>
        %add3A_119 = arith.addi %get3A_88, %add3A_118 : vector<16xi32>
        %eq3A_120 = vector.broadcast %reduce_min3A_98 : i32 to vector<16xi32>
        %eq3A_121 = arith.cmpi eq, %unique3A_91, %eq3A_120 : vector<16xi32>
        %gather3A_122 = tpu.vector_load_idx %arg8[%add3A_116] : memref<20000xi32, #tpu.memory_space<vmem>>[vector<16xi32>], vector<16xi32>,
        %bitcast3A_123 = vector.bitcast %gather3A_122 : vector<16xi32> to vector<32xbf16>
        %max3A = arith.maximumf %bitcast3A_123, %bitcast3A : vector<32xbf16>
        %bitcast3A_124 = vector.bitcast %max3A : vector<32xbf16> to vector<16xi32>
        tpu.vector_store_idx %arg8[%add3A_116], %bitcast3A_124 masked %eq3A_121 : memref<20000xi32, #tpu.memory_space<vmem>>[vector<16xi32>], vector<16xi32>, vector<16xi1>
        %gather3A_125 = tpu.vector_load_idx %arg8[%add3A_119] : memref<20000xi32, #tpu.memory_space<vmem>>[vector<16xi32>], vector<16xi32>,
        %bitcast3A_126 = vector.bitcast %gather3A_125 : vector<16xi32> to vector<32xbf16>
        %max3A_127 = arith.maximumf %bitcast3A_126, %bitcast3A_113 : vector<32xbf16>
        %bitcast3A_128 = vector.bitcast %max3A_127 : vector<32xbf16> to vector<16xi32>
        tpu.vector_store_idx %arg8[%add3A_119], %bitcast3A_128 masked %eq3A_121 : memref<20000xi32, #tpu.memory_space<vmem>>[vector<16xi32>], vector<16xi32>, vector<16xi1>
        %eq3A_129 = arith.constant 0 : i32
        %eq3A_130 = arith.cmpi eq, %add3A, %eq3A_129 : i32
        %convert_element_type3A_131 = arith.extui %eq3A_130 : i1 to i32
        %cond3A_132 = arith.constant 0 : i32
        %cond3A_133 = arith.cmpi ne, %convert_element_type3A_131, %cond3A_132 : i32
        scf.if %cond3A_133 {
          tpu.vector_store_idx %arg9[%get3A_88], %broadcast_in_dim3A_9 masked %eq3A_121 {add = true} : memref<10000xf32, #tpu.memory_space<vmem>>[vector<16xi32>], vector<16xf32>, vector<16xi1>
        } else {
        }
        %gt3A = arith.cmpi sgt, %reduce_max3A_105, %reduce_min3A_98 : i32
        %convert_element_type3A_134 = arith.extui %gt3A : i1 to i32
        %cond3A_135 = arith.constant 0 : i32
        %cond3A_136 = arith.cmpi ne, %convert_element_type3A_134, %cond3A_135 : i32
        scf.if %cond3A_136 {
          %scan3A_137 = arith.constant 0 : i32
          %scan3A_138 = arith.constant 15 : i32
          %scan3A_139 = arith.addi %scan3A_137, %scan3A_138 : i32
          %scan3A_140 = arith.constant 1 : i32
          scf.for %scan3A_142 = %scan3A_137 to %scan3A_139 step %scan3A_140  : i32 {
            %mul3A_143 = arith.constant 1 : i32
            %mul3A_144 = arith.muli %scan3A_142, %mul3A_143 : i32
            %add3A_145 = arith.constant 1 : i32
            %add3A_146 = arith.addi %add3A_145, %mul3A_144 : i32
            %add3A_147 = arith.addi %reduce_min3A_98, %add3A_146 : i32
            %eq3A_148 = vector.broadcast %add3A_147 : i32 to vector<16xi32>
            %eq3A_149 = arith.cmpi eq, %unique3A_91, %eq3A_148 : vector<16xi32>
            %gather3A_150 = tpu.vector_load_idx %arg8[%add3A_116] : memref<20000xi32, #tpu.memory_space<vmem>>[vector<16xi32>], vector<16xi32>,
            %bitcast3A_151 = vector.bitcast %gather3A_150 : vector<16xi32> to vector<32xbf16>
            %max3A_152 = arith.maximumf %bitcast3A_151, %bitcast3A : vector<32xbf16>
            %bitcast3A_153 = vector.bitcast %max3A_152 : vector<32xbf16> to vector<16xi32>
            tpu.vector_store_idx %arg8[%add3A_116], %bitcast3A_153 masked %eq3A_149 : memref<20000xi32, #tpu.memory_space<vmem>>[vector<16xi32>], vector<16xi32>, vector<16xi1>
            %gather3A_154 = tpu.vector_load_idx %arg8[%add3A_119] : memref<20000xi32, #tpu.memory_space<vmem>>[vector<16xi32>], vector<16xi32>,
            %bitcast3A_155 = vector.bitcast %gather3A_154 : vector<16xi32> to vector<32xbf16>
            %max3A_156 = arith.maximumf %bitcast3A_155, %bitcast3A_113 : vector<32xbf16>
            %bitcast3A_157 = vector.bitcast %max3A_156 : vector<32xbf16> to vector<16xi32>
            tpu.vector_store_idx %arg8[%add3A_119], %bitcast3A_157 masked %eq3A_149 : memref<20000xi32, #tpu.memory_space<vmem>>[vector<16xi32>], vector<16xi32>, vector<16xi1>
            %eq3A_158 = arith.constant 0 : i32
            %eq3A_159 = arith.cmpi eq, %add3A, %eq3A_158 : i32
            %convert_element_type3A_160 = arith.extui %eq3A_159 : i1 to i32
            %cond3A_161 = arith.constant 0 : i32
            %cond3A_162 = arith.cmpi ne, %convert_element_type3A_160, %cond3A_161 : i32
            scf.if %cond3A_162 {
              tpu.vector_store_idx %arg9[%get3A_88], %broadcast_in_dim3A_9 masked %eq3A_149 {add = true} : memref<10000xf32, #tpu.memory_space<vmem>>[vector<16xi32>], vector<16xf32>, vector<16xi1>
            } else {
            }
          }
          %scan3A_141 = arith.constant 15 : i32
        } else {
        }
      }
      %scan3A_61 = arith.constant 125 : i32
      %add3A_62 = arith.constant 2 : i32
      %add3A_63 = arith.addi %add3A_39, %add3A_62 : i32
      %lt3A = arith.constant 160 : i32
      %lt3A_64 = arith.cmpi slt, %add3A_63, %lt3A : i32
      %convert_element_type3A_65 = arith.extui %lt3A_64 : i1 to i32
      %cond3A_66 = arith.constant 0 : i32
      %cond3A_67 = arith.cmpi ne, %convert_element_type3A_65, %cond3A_66 : i32
      scf.if %cond3A_67 {
        %add3A_81 = arith.constant 2 : i32
        %add3A_82 = arith.addi %add3A_39, %add3A_81 : i32
        %mul3A_83 = arith.constant 2000 : i32
        %mul3A_84 = arith.muli %add3A_82, %mul3A_83 : i32
        %dma_start3A_85 = tpu.memref_slice %arg3[%mul3A_84] : memref<320000xi32, #tpu.memory_space<hbm>> -> memref<2000xi32, #tpu.memory_space<hbm>>
        %dma_start3A_86 = tpu.memref_slice %arg3[%mul3A_84] : memref<320000xi32, #tpu.memory_space<hbm>> -> memref<2000xi32, #tpu.memory_space<hbm>>
        tpu.enqueue_dma source(%dma_start3A_86 : memref<2000xi32, #tpu.memory_space<hbm>>) target(%arg10 : memref<2000xi32, #tpu.memory_space<vmem>>) target_semaphore(%arg14 : memref<!tpu.dma_semaphore, #tpu.memory_space<semaphore_mem>>)
        %mul3A_87 = arith.constant 2000 : i32
        %mul3A_88 = arith.muli %add3A_82, %mul3A_87 : i32
        %dma_start3A_89 = tpu.memref_slice %arg4[%mul3A_88] : memref<320000xi32, #tpu.memory_space<hbm>> -> memref<2000xi32, #tpu.memory_space<hbm>>
        %dma_start3A_90 = tpu.memref_slice %arg4[%mul3A_88] : memref<320000xi32, #tpu.memory_space<hbm>> -> memref<2000xi32, #tpu.memory_space<hbm>>
        tpu.enqueue_dma source(%dma_start3A_90 : memref<2000xi32, #tpu.memory_space<hbm>>) target(%arg11 : memref<2000xi32, #tpu.memory_space<vmem>>) target_semaphore(%arg14 : memref<!tpu.dma_semaphore, #tpu.memory_space<semaphore_mem>>)
      } else {
      }
      %dma_wait3A_68 = arith.constant 0 : i32
      %dma_wait3A_69 = tpu.memref_slice %arg3[%dma_wait3A_68] : memref<320000xi32, #tpu.memory_space<hbm>> -> memref<2000xi32, #tpu.memory_space<hbm>>
      %dma_wait3A_70 = arith.constant 0 : i32
      %dma_wait3A_71 = tpu.memref_slice %arg3[%dma_wait3A_70] : memref<320000xi32, #tpu.memory_space<hbm>> -> memref<2000xi32, #tpu.memory_space<hbm>>
      tpu.wait_dma2 semaphore(%arg15 : memref<!tpu.dma_semaphore, #tpu.memory_space<semaphore_mem>>) src(%dma_wait3A_71 : memref<2000xi32, #tpu.memory_space<hbm>>) dst(%arg12 : memref<2000xi32, #tpu.memory_space<vmem>>)
      %dma_wait3A_72 = arith.constant 0 : i32
      %dma_wait3A_73 = tpu.memref_slice %arg4[%dma_wait3A_72] : memref<320000xi32, #tpu.memory_space<hbm>> -> memref<2000xi32, #tpu.memory_space<hbm>>
      %dma_wait3A_74 = arith.constant 0 : i32
      %dma_wait3A_75 = tpu.memref_slice %arg4[%dma_wait3A_74] : memref<320000xi32, #tpu.memory_space<hbm>> -> memref<2000xi32, #tpu.memory_space<hbm>>
      tpu.wait_dma2 semaphore(%arg15 : memref<!tpu.dma_semaphore, #tpu.memory_space<semaphore_mem>>) src(%dma_wait3A_75 : memref<2000xi32, #tpu.memory_space<hbm>>) dst(%arg13 : memref<2000xi32, #tpu.memory_space<vmem>>)
      %scan3A_76 = arith.constant 0 : i32
      %scan3A_77 = arith.constant 125 : i32
      %scan3A_78 = arith.addi %scan3A_76, %scan3A_77 : i32
      %scan3A_79 = arith.constant 1 : i32
      scf.for %scan3A_81 = %scan3A_76 to %scan3A_78 step %scan3A_79  : i32 {
        %mul3A_82 = arith.constant 16 : i32
        %mul3A_83 = arith.muli %scan3A_81, %mul3A_82 : i32
        %add3A_84 = arith.constant 0 : i32
        %add3A_85 = arith.addi %add3A_84, %mul3A_83 : i32
        %get3A = arith.index_cast %add3A_85 : i32 to index
        %get3A_86 = tpu.vector_load %arg12[%get3A] {strides = array<i32>} : memref<2000xi32, #tpu.memory_space<vmem>>, vector<16xi32>,
        %get3A_87 = arith.index_cast %add3A_85 : i32 to index
        %get3A_88 = tpu.vector_load %arg13[%get3A_87] {strides = array<i32>} : memref<2000xi32, #tpu.memory_space<vmem>>, vector<16xi32>,
        %broadcast_in_dim3A_89 = arith.constant true
        %broadcast_in_dim3A_90 = vector.broadcast %broadcast_in_dim3A_89 : i1 to vector<16xi1>
        %unique3A, %unique3A_91 = tpu.scan_count mask(%broadcast_in_dim3A_90 : vector<16xi1>) value(%get3A_88 : vector<16xi32>) : vector<16xi1>, vector<16xi32>
        %reduce_min3A = arith.constant true
        %reduce_min3A_92 = vector.broadcast %reduce_min3A : i1 to vector<16xi1>
        %reduce_min3A_93 = arith.constant -2147483648 : i32
        %reduce_min3A_94 = vector.broadcast %reduce_min3A_93 : i32 to vector<16xi32>
        %reduce_min3A_95 = arith.xori %unique3A_91, %reduce_min3A_94 : vector<16xi32>
        %reduce_min3A_96 = tpu.scan <min>, %reduce_min3A_95 masked %reduce_min3A_92 : vector<16xi32>, vector<16xi1> -> vector<16xi32>
        %reduce_min3A_97 = arith.xori %reduce_min3A_96, %reduce_min3A_94 : vector<16xi32>
        %reduce_min3A_98 = vector.extract %reduce_min3A_97[15] : i32 from vector<16xi32>
        %reduce_max3A = arith.constant true
        %reduce_max3A_99 = vector.broadcast %reduce_max3A : i1 to vector<16xi1>
        %reduce_max3A_100 = arith.constant -2147483648 : i32
        %reduce_max3A_101 = vector.broadcast %reduce_max3A_100 : i32 to vector<16xi32>
        %reduce_max3A_102 = arith.xori %unique3A_91, %reduce_max3A_101 : vector<16xi32>
        %reduce_max3A_103 = tpu.scan <max>, %reduce_max3A_102 masked %reduce_max3A_99 : vector<16xi32>, vector<16xi1> -> vector<16xi32>
        %reduce_max3A_104 = arith.xori %reduce_max3A_103, %reduce_max3A_101 : vector<16xi32>
        %reduce_max3A_105 = vector.extract %reduce_max3A_104[15] : i32 from vector<16xi32>
        %add3A_106 = arith.constant 0 : i32
        %add3A_107 = vector.broadcast %add3A_106 : i32 to vector<16xi32>
        %add3A_108 = arith.addi %get3A_86, %add3A_107 : vector<16xi32>
        %gather3A = tpu.vector_load_idx %arg7[%add3A_108] : memref<20000xi32, #tpu.memory_space<vmem>>[vector<16xi32>], vector<16xi32>,
        %bitcast3A = vector.bitcast %gather3A : vector<16xi32> to vector<32xbf16>
        %add3A_109 = arith.constant 10000 : i32
        %add3A_110 = vector.broadcast %add3A_109 : i32 to vector<16xi32>
        %add3A_111 = arith.addi %get3A_86, %add3A_110 : vector<16xi32>
        %gather3A_112 = tpu.vector_load_idx %arg7[%add3A_111] : memref<20000xi32, #tpu.memory_space<vmem>>[vector<16xi32>], vector<16xi32>,
        %bitcast3A_113 = vector.bitcast %gather3A_112 : vector<16xi32> to vector<32xbf16>
        %add3A_114 = arith.constant 0 : i32
        %add3A_115 = vector.broadcast %add3A_114 : i32 to vector<16xi32>
        %add3A_116 = arith.addi %get3A_88, %add3A_115 : vector<16xi32>
        %add3A_117 = arith.constant 10000 : i32
        %add3A_118 = vector.broadcast %add3A_117 : i32 to vector<16xi32>
        %add3A_119 = arith.addi %get3A_88, %add3A_118 : vector<16xi32>
        %eq3A_120 = vector.broadcast %reduce_min3A_98 : i32 to vector<16xi32>
        %eq3A_121 = arith.cmpi eq, %unique3A_91, %eq3A_120 : vector<16xi32>
        %gather3A_122 = tpu.vector_load_idx %arg8[%add3A_116] : memref<20000xi32, #tpu.memory_space<vmem>>[vector<16xi32>], vector<16xi32>,
        %bitcast3A_123 = vector.bitcast %gather3A_122 : vector<16xi32> to vector<32xbf16>
        %max3A = arith.maximumf %bitcast3A_123, %bitcast3A : vector<32xbf16>
        %bitcast3A_124 = vector.bitcast %max3A : vector<32xbf16> to vector<16xi32>
        tpu.vector_store_idx %arg8[%add3A_116], %bitcast3A_124 masked %eq3A_121 : memref<20000xi32, #tpu.memory_space<vmem>>[vector<16xi32>], vector<16xi32>, vector<16xi1>
        %gather3A_125 = tpu.vector_load_idx %arg8[%add3A_119] : memref<20000xi32, #tpu.memory_space<vmem>>[vector<16xi32>], vector<16xi32>,
        %bitcast3A_126 = vector.bitcast %gather3A_125 : vector<16xi32> to vector<32xbf16>
        %max3A_127 = arith.maximumf %bitcast3A_126, %bitcast3A_113 : vector<32xbf16>
        %bitcast3A_128 = vector.bitcast %max3A_127 : vector<32xbf16> to vector<16xi32>
        tpu.vector_store_idx %arg8[%add3A_119], %bitcast3A_128 masked %eq3A_121 : memref<20000xi32, #tpu.memory_space<vmem>>[vector<16xi32>], vector<16xi32>, vector<16xi1>
        %eq3A_129 = arith.constant 0 : i32
        %eq3A_130 = arith.cmpi eq, %add3A, %eq3A_129 : i32
        %convert_element_type3A_131 = arith.extui %eq3A_130 : i1 to i32
        %cond3A_132 = arith.constant 0 : i32
        %cond3A_133 = arith.cmpi ne, %convert_element_type3A_131, %cond3A_132 : i32
        scf.if %cond3A_133 {
          tpu.vector_store_idx %arg9[%get3A_88], %broadcast_in_dim3A_9 masked %eq3A_121 {add = true} : memref<10000xf32, #tpu.memory_space<vmem>>[vector<16xi32>], vector<16xf32>, vector<16xi1>
        } else {
        }
        %gt3A = arith.cmpi sgt, %reduce_max3A_105, %reduce_min3A_98 : i32
        %convert_element_type3A_134 = arith.extui %gt3A : i1 to i32
        %cond3A_135 = arith.constant 0 : i32
        %cond3A_136 = arith.cmpi ne, %convert_element_type3A_134, %cond3A_135 : i32
        scf.if %cond3A_136 {
          %scan3A_137 = arith.constant 0 : i32
          %scan3A_138 = arith.constant 15 : i32
          %scan3A_139 = arith.addi %scan3A_137, %scan3A_138 : i32
          %scan3A_140 = arith.constant 1 : i32
          scf.for %scan3A_142 = %scan3A_137 to %scan3A_139 step %scan3A_140  : i32 {
            %mul3A_143 = arith.constant 1 : i32
            %mul3A_144 = arith.muli %scan3A_142, %mul3A_143 : i32
            %add3A_145 = arith.constant 1 : i32
            %add3A_146 = arith.addi %add3A_145, %mul3A_144 : i32
            %add3A_147 = arith.addi %reduce_min3A_98, %add3A_146 : i32
            %eq3A_148 = vector.broadcast %add3A_147 : i32 to vector<16xi32>
            %eq3A_149 = arith.cmpi eq, %unique3A_91, %eq3A_148 : vector<16xi32>
            %gather3A_150 = tpu.vector_load_idx %arg8[%add3A_116] : memref<20000xi32, #tpu.memory_space<vmem>>[vector<16xi32>], vector<16xi32>,
            %bitcast3A_151 = vector.bitcast %gather3A_150 : vector<16xi32> to vector<32xbf16>
            %max3A_152 = arith.maximumf %bitcast3A_151, %bitcast3A : vector<32xbf16>
            %bitcast3A_153 = vector.bitcast %max3A_152 : vector<32xbf16> to vector<16xi32>
            tpu.vector_store_idx %arg8[%add3A_116], %bitcast3A_153 masked %eq3A_149 : memref<20000xi32, #tpu.memory_space<vmem>>[vector<16xi32>], vector<16xi32>, vector<16xi1>
            %gather3A_154 = tpu.vector_load_idx %arg8[%add3A_119] : memref<20000xi32, #tpu.memory_space<vmem>>[vector<16xi32>], vector<16xi32>,
            %bitcast3A_155 = vector.bitcast %gather3A_154 : vector<16xi32> to vector<32xbf16>
            %max3A_156 = arith.maximumf %bitcast3A_155, %bitcast3A_113 : vector<32xbf16>
            %bitcast3A_157 = vector.bitcast %max3A_156 : vector<32xbf16> to vector<16xi32>
            tpu.vector_store_idx %arg8[%add3A_119], %bitcast3A_157 masked %eq3A_149 : memref<20000xi32, #tpu.memory_space<vmem>>[vector<16xi32>], vector<16xi32>, vector<16xi1>
            %eq3A_158 = arith.constant 0 : i32
            %eq3A_159 = arith.cmpi eq, %add3A, %eq3A_158 : i32
            %convert_element_type3A_160 = arith.extui %eq3A_159 : i1 to i32
            %cond3A_161 = arith.constant 0 : i32
            %cond3A_162 = arith.cmpi ne, %convert_element_type3A_160, %cond3A_161 : i32
            scf.if %cond3A_162 {
              tpu.vector_store_idx %arg9[%get3A_88], %broadcast_in_dim3A_9 masked %eq3A_149 {add = true} : memref<10000xf32, #tpu.memory_space<vmem>>[vector<16xi32>], vector<16xf32>, vector<16xi1>
            } else {
            }
          }
          %scan3A_141 = arith.constant 15 : i32
        } else {
        }
      }
      %scan3A_80 = arith.constant 125 : i32
    }
    %scan3A_30 = arith.constant 80 : i32
    %mul3A_31 = arith.constant 10000 : i32
    %mul3A_32 = arith.muli %mul3A_2, %mul3A_31 : i32
    "tpu.region"() ({
      %run_scoped3A = tpu.sem_alloc : memref<!tpu.dma_semaphore, #tpu.memory_space<semaphore_mem>>
      %dma_start3A_35 = tpu.memref_slice %arg5[%mul3A_32] : memref<640000xi32, #tpu.memory_space<hbm>> -> memref<20000xi32, #tpu.memory_space<hbm>>
      %dma_start3A_36 = tpu.memref_slice %arg5[%mul3A_32] : memref<640000xi32, #tpu.memory_space<hbm>> -> memref<20000xi32, #tpu.memory_space<hbm>>
      tpu.enqueue_dma source(%arg8 : memref<20000xi32, #tpu.memory_space<vmem>>) target(%dma_start3A_36 : memref<20000xi32, #tpu.memory_space<hbm>>) target_semaphore(%run_scoped3A : memref<!tpu.dma_semaphore, #tpu.memory_space<semaphore_mem>>)
      %dma_wait3A = tpu.memref_slice %arg5[%mul3A_32] : memref<640000xi32, #tpu.memory_space<hbm>> -> memref<20000xi32, #tpu.memory_space<hbm>>
      %dma_wait3A_37 = tpu.memref_slice %arg5[%mul3A_32] : memref<640000xi32, #tpu.memory_space<hbm>> -> memref<20000xi32, #tpu.memory_space<hbm>>
      tpu.wait_dma2 semaphore(%run_scoped3A : memref<!tpu.dma_semaphore, #tpu.memory_space<semaphore_mem>>) src(%arg8 : memref<20000xi32, #tpu.memory_space<vmem>>) dst(%dma_wait3A_37 : memref<20000xi32, #tpu.memory_space<hbm>>)
      tpu.yield
    }) : () -> ()
    %eq3A = arith.constant 0 : i32
    %eq3A_33 = arith.cmpi eq, %add3A, %eq3A : i32
    %convert_element_type3A = arith.extui %eq3A_33 : i1 to i32
    %cond3A = arith.constant 0 : i32
    %cond3A_34 = arith.cmpi ne, %convert_element_type3A, %cond3A : i32
    scf.if %cond3A_34 {
      "tpu.region"() ({
        %run_scoped3A = tpu.sem_alloc : memref<!tpu.dma_semaphore, #tpu.memory_space<semaphore_mem>>
        tpu.enqueue_dma source(%arg9 : memref<10000xf32, #tpu.memory_space<vmem>>) target(%arg6 : memref<10000xf32, #tpu.memory_space<hbm>>) target_semaphore(%run_scoped3A : memref<!tpu.dma_semaphore, #tpu.memory_space<semaphore_mem>>)
        tpu.wait_dma2 semaphore(%run_scoped3A : memref<!tpu.dma_semaphore, #tpu.memory_space<semaphore_mem>>) src(%arg9 : memref<10000xf32, #tpu.memory_space<vmem>>) dst(%arg6 : memref<10000xf32, #tpu.memory_space<hbm>>)
        tpu.yield
      }) : () -> ()
    } else {
    }
    return
  }
}

#map = affine_map<(d0, d1) -> (0, 0)>
#map1 = affine_map<(d0, d1) -> (0)>
#map2 = affine_map<(d0, d1) -> (0, 0, 0)>
module attributes {stable_mosaic.version = 14 : i64} {
  func.func @_sc_sum_body(%arg0: i32, %arg1: i32, %arg2: memref<10000x128xf32, #tpu.memory_space<hbm>>, %arg3: memref<320000xi32, #tpu.memory_space<hbm>>, %arg4: memref<320000xi32, #tpu.memory_space<hbm>>, %arg5: memref<10000x128xf32, #tpu.memory_space<hbm>>, %arg6: memref<2x10000x128xf32, #tpu.memory_space<hbm>>, %arg7: memref<80xi32, #tpu.memory_space<vmem>>, %arg8: memref<80xi32, #tpu.memory_space<vmem>>, %arg9: memref<80x128xf32, #tpu.memory_space<vmem>>, %arg10: memref<10000x128xf32, #tpu.memory_space<vmem_shared>>) attributes {dimension_semantics = [#tpu.dimension_semantics<core_parallel>, #tpu.dimension_semantics<subcore_parallel>], iteration_bounds = array<i64: 2, 16>, scalar_prefetch = 0 : i64, scratch_operands = 4 : i64, tpu.core_type = #tpu.core_type<sc_vector_subcore>, window_params = [{transform_indices = #map}, {transform_indices = #map1}, {transform_indices = #map1}, {transform_indices = #map}, {transform_indices = #map2}]} {
    %mul3A = arith.constant 2 : i32
    %mul3A_0 = arith.muli %arg1, %mul3A : i32
    %add3A = arith.addi %mul3A_0, %arg0 : i32
    %mul3A_1 = arith.constant 624 : i32
    %mul3A_2 = arith.muli %arg1, %mul3A_1 : i32
    %mul3A_3 = arith.constant 624 : i32
    %mul3A_4 = arith.muli %arg1, %mul3A_3 : i32
    "tpu.region"() ({
      %run_scoped3A = tpu.sem_alloc : memref<!tpu.dma_semaphore, #tpu.memory_space<semaphore_mem>>
      %dma_start3A = arith.constant 0 : i32
      %dma_start3A_23 = tpu.memref_slice %arg10[%mul3A_4, %dma_start3A] : memref<10000x128xf32, #tpu.memory_space<vmem_shared>> -> memref<624x128xf32, #tpu.memory_space<vmem_shared>>
      %dma_start3A_24 = arith.constant 0 : i32
      %dma_start3A_25 = tpu.memref_slice %arg5[%mul3A_2, %dma_start3A_24] : memref<10000x128xf32, #tpu.memory_space<hbm>> -> memref<624x128xf32, #tpu.memory_space<hbm>>
      tpu.enqueue_dma source(%dma_start3A_25 : memref<624x128xf32, #tpu.memory_space<hbm>>) target(%dma_start3A_23 : memref<624x128xf32, #tpu.memory_space<vmem_shared>>) target_semaphore(%run_scoped3A : memref<!tpu.dma_semaphore, #tpu.memory_space<semaphore_mem>>)
      %dma_wait3A = arith.constant 0 : i32
      %dma_wait3A_26 = tpu.memref_slice %arg10[%mul3A_4, %dma_wait3A] : memref<10000x128xf32, #tpu.memory_space<vmem_shared>> -> memref<624x128xf32, #tpu.memory_space<vmem_shared>>
      %dma_wait3A_27 = arith.constant 0 : i32
      %dma_wait3A_28 = tpu.memref_slice %arg5[%mul3A_2, %dma_wait3A_27] : memref<10000x128xf32, #tpu.memory_space<hbm>> -> memref<624x128xf32, #tpu.memory_space<hbm>>
      tpu.wait_dma2 semaphore(%run_scoped3A : memref<!tpu.dma_semaphore, #tpu.memory_space<semaphore_mem>>) src(%dma_wait3A_28 : memref<624x128xf32, #tpu.memory_space<hbm>>) dst(%dma_wait3A_26 : memref<624x128xf32, #tpu.memory_space<vmem_shared>>)
      tpu.yield
    }) : () -> ()
    %eq3A = arith.constant 0 : i32
    %eq3A_5 = arith.cmpi eq, %arg1, %eq3A : i32
    %convert_element_type3A = arith.extui %eq3A_5 : i1 to i32
    %cond3A = arith.constant 0 : i32
    %cond3A_6 = arith.cmpi ne, %convert_element_type3A, %cond3A : i32
    scf.if %cond3A_6 {
      "tpu.region"() ({
        %run_scoped3A = tpu.sem_alloc : memref<!tpu.dma_semaphore, #tpu.memory_space<semaphore_mem>>
        %dma_start3A = arith.constant 9984 : i32
        %dma_start3A_23 = arith.constant 0 : i32
        %dma_start3A_24 = tpu.memref_slice %arg10[%dma_start3A, %dma_start3A_23] : memref<10000x128xf32, #tpu.memory_space<vmem_shared>> -> memref<16x128xf32, #tpu.memory_space<vmem_shared>>
        %dma_start3A_25 = arith.constant 9984 : i32
        %dma_start3A_26 = arith.constant 0 : i32
        %dma_start3A_27 = tpu.memref_slice %arg5[%dma_start3A_25, %dma_start3A_26] : memref<10000x128xf32, #tpu.memory_space<hbm>> -> memref<16x128xf32, #tpu.memory_space<hbm>>
        tpu.enqueue_dma source(%dma_start3A_27 : memref<16x128xf32, #tpu.memory_space<hbm>>) target(%dma_start3A_24 : memref<16x128xf32, #tpu.memory_space<vmem_shared>>) target_semaphore(%run_scoped3A : memref<!tpu.dma_semaphore, #tpu.memory_space<semaphore_mem>>)
        %dma_wait3A = arith.constant 9984 : i32
        %dma_wait3A_28 = arith.constant 0 : i32
        %dma_wait3A_29 = tpu.memref_slice %arg10[%dma_wait3A, %dma_wait3A_28] : memref<10000x128xf32, #tpu.memory_space<vmem_shared>> -> memref<16x128xf32, #tpu.memory_space<vmem_shared>>
        %dma_wait3A_30 = arith.constant 9984 : i32
        %dma_wait3A_31 = arith.constant 0 : i32
        %dma_wait3A_32 = tpu.memref_slice %arg5[%dma_wait3A_30, %dma_wait3A_31] : memref<10000x128xf32, #tpu.memory_space<hbm>> -> memref<16x128xf32, #tpu.memory_space<hbm>>
        tpu.wait_dma2 semaphore(%run_scoped3A : memref<!tpu.dma_semaphore, #tpu.memory_space<semaphore_mem>>) src(%dma_wait3A_32 : memref<16x128xf32, #tpu.memory_space<hbm>>) dst(%dma_wait3A_29 : memref<16x128xf32, #tpu.memory_space<vmem_shared>>)
        tpu.yield
      }) : () -> ()
    } else {
    }
    %barrier3A = arith.constant 0 : index
    tpu.barrier barrier_id(%barrier3A)
    %mul3A_7 = arith.constant 10000 : i32
    %mul3A_8 = arith.muli %add3A, %mul3A_7 : i32
    %scan3A = arith.constant 0 : i32
    %scan3A_9 = arith.constant 125 : i32
    %scan3A_10 = arith.addi %scan3A, %scan3A_9 : i32
    %scan3A_11 = arith.constant 1 : i32
    scf.for %scan3A_23 = %scan3A to %scan3A_10 step %scan3A_11  : i32 {
      %mul3A_24 = arith.constant 1 : i32
      %mul3A_25 = arith.muli %scan3A_23, %mul3A_24 : i32
      %add3A_26 = arith.constant 0 : i32
      %add3A_27 = arith.addi %add3A_26, %mul3A_25 : i32
      %mul3A_28 = arith.constant 80 : i32
      %mul3A_29 = arith.muli %add3A_27, %mul3A_28 : i32
      %add3A_30 = arith.addi %mul3A_8, %mul3A_29 : i32
      "tpu.region"() ({
        %run_scoped3A = tpu.sem_alloc : memref<!tpu.dma_semaphore, #tpu.memory_space<semaphore_mem>>
        %dma_start3A = tpu.memref_slice %arg3[%add3A_30] : memref<320000xi32, #tpu.memory_space<hbm>> -> memref<80xi32, #tpu.memory_space<hbm>>
        %dma_start3A_31 = tpu.memref_slice %arg3[%add3A_30] : memref<320000xi32, #tpu.memory_space<hbm>> -> memref<80xi32, #tpu.memory_space<hbm>>
        tpu.enqueue_dma source(%dma_start3A_31 : memref<80xi32, #tpu.memory_space<hbm>>) target(%arg7 : memref<80xi32, #tpu.memory_space<vmem>>) target_semaphore(%run_scoped3A : memref<!tpu.dma_semaphore, #tpu.memory_space<semaphore_mem>>)
        %dma_wait3A = tpu.memref_slice %arg3[%add3A_30] : memref<320000xi32, #tpu.memory_space<hbm>> -> memref<80xi32, #tpu.memory_space<hbm>>
        %dma_wait3A_32 = tpu.memref_slice %arg3[%add3A_30] : memref<320000xi32, #tpu.memory_space<hbm>> -> memref<80xi32, #tpu.memory_space<hbm>>
        tpu.wait_dma2 semaphore(%run_scoped3A : memref<!tpu.dma_semaphore, #tpu.memory_space<semaphore_mem>>) src(%dma_wait3A_32 : memref<80xi32, #tpu.memory_space<hbm>>) dst(%arg7 : memref<80xi32, #tpu.memory_space<vmem>>)
        tpu.yield
      }) : () -> ()
      "tpu.region"() ({
        %run_scoped3A = tpu.sem_alloc : memref<!tpu.dma_semaphore, #tpu.memory_space<semaphore_mem>>
        %dma_start3A = tpu.memref_slice %arg4[%add3A_30] : memref<320000xi32, #tpu.memory_space<hbm>> -> memref<80xi32, #tpu.memory_space<hbm>>
        %dma_start3A_31 = tpu.memref_slice %arg4[%add3A_30] : memref<320000xi32, #tpu.memory_space<hbm>> -> memref<80xi32, #tpu.memory_space<hbm>>
        tpu.enqueue_dma source(%dma_start3A_31 : memref<80xi32, #tpu.memory_space<hbm>>) target(%arg8 : memref<80xi32, #tpu.memory_space<vmem>>) target_semaphore(%run_scoped3A : memref<!tpu.dma_semaphore, #tpu.memory_space<semaphore_mem>>)
        %dma_wait3A = tpu.memref_slice %arg4[%add3A_30] : memref<320000xi32, #tpu.memory_space<hbm>> -> memref<80xi32, #tpu.memory_space<hbm>>
        %dma_wait3A_32 = tpu.memref_slice %arg4[%add3A_30] : memref<320000xi32, #tpu.memory_space<hbm>> -> memref<80xi32, #tpu.memory_space<hbm>>
        tpu.wait_dma2 semaphore(%run_scoped3A : memref<!tpu.dma_semaphore, #tpu.memory_space<semaphore_mem>>) src(%dma_wait3A_32 : memref<80xi32, #tpu.memory_space<hbm>>) dst(%arg8 : memref<80xi32, #tpu.memory_space<vmem>>)
        tpu.yield
      }) : () -> ()
      "tpu.region"() ({
        %run_scoped3A = tpu.sem_alloc : memref<!tpu.dma_semaphore, #tpu.memory_space<semaphore_mem>>
        %dma_start3A = arith.constant 0 : i32
        %dma_start3A_31 = arith.constant 0 : i32
        %dma_start3A_32 = tpu.memref_slice %arg2[%dma_start3A, %dma_start3A_31] : memref<10000x128xf32, #tpu.memory_space<hbm>> -> memref<10000x128xf32, #tpu.memory_space<hbm>>
        tpu.enqueue_indirect_dma source(%dma_start3A_32 : memref<10000x128xf32, #tpu.memory_space<hbm>>) target(%arg9 : memref<80x128xf32, #tpu.memory_space<vmem>>) offsets(%arg7 : memref<80xi32, #tpu.memory_space<vmem>>) semaphore(%run_scoped3A : memref<!tpu.dma_semaphore, #tpu.memory_space<semaphore_mem>>)
        %dma_wait3A = arith.constant 0 : i32
        %dma_wait3A_33 = arith.constant 0 : i32
        %dma_wait3A_34 = tpu.memref_slice %arg2[%dma_wait3A, %dma_wait3A_33] : memref<10000x128xf32, #tpu.memory_space<hbm>> -> memref<10000x128xf32, #tpu.memory_space<hbm>>
        tpu.wait_indirect_dma semaphore(%run_scoped3A : memref<!tpu.dma_semaphore, #tpu.memory_space<semaphore_mem>>) src(%dma_wait3A_34 : memref<10000x128xf32, #tpu.memory_space<hbm>>) dst(%arg9 : memref<80x128xf32, #tpu.memory_space<vmem>>)
        tpu.yield
      }) : () -> ()
      "tpu.region"() ({
        %run_scoped3A = tpu.sem_alloc : memref<!tpu.dma_semaphore, #tpu.memory_space<semaphore_mem>>
        %dma_start3A = arith.constant 0 : i32
        %dma_start3A_31 = arith.constant 0 : i32
        %dma_start3A_32 = tpu.memref_slice %arg10[%dma_start3A, %dma_start3A_31] : memref<10000x128xf32, #tpu.memory_space<vmem_shared>> -> memref<10000x128xf32, #tpu.memory_space<vmem_shared>>
        tpu.enqueue_indirect_dma source(%arg9 : memref<80x128xf32, #tpu.memory_space<vmem>>) target(%dma_start3A_32 : memref<10000x128xf32, #tpu.memory_space<vmem_shared>>) offsets(%arg8 : memref<80xi32, #tpu.memory_space<vmem>>) semaphore(%run_scoped3A : memref<!tpu.dma_semaphore, #tpu.memory_space<semaphore_mem>>) {add = true}
        %dma_wait3A = arith.constant 0 : i32
        %dma_wait3A_33 = arith.constant 0 : i32
        %dma_wait3A_34 = tpu.memref_slice %arg10[%dma_wait3A, %dma_wait3A_33] : memref<10000x128xf32, #tpu.memory_space<vmem_shared>> -> memref<10000x128xf32, #tpu.memory_space<vmem_shared>>
        tpu.wait_indirect_dma semaphore(%run_scoped3A : memref<!tpu.dma_semaphore, #tpu.memory_space<semaphore_mem>>) src(%arg9 : memref<80x128xf32, #tpu.memory_space<vmem>>) dst(%dma_wait3A_34 : memref<10000x128xf32, #tpu.memory_space<vmem_shared>>)
        tpu.yield
      }) : () -> ()
    }
    %scan3A_12 = arith.constant 125 : i32
    %barrier3A_13 = arith.constant 0 : index
    tpu.barrier barrier_id(%barrier3A_13)
    %mul3A_14 = arith.constant 624 : i32
    %mul3A_15 = arith.muli %arg1, %mul3A_14 : i32
    %mul3A_16 = arith.constant 624 : i32
    %mul3A_17 = arith.muli %arg1, %mul3A_16 : i32
    "tpu.region"() ({
      %run_scoped3A = tpu.sem_alloc : memref<!tpu.dma_semaphore, #tpu.memory_space<semaphore_mem>>
      %dma_start3A = arith.constant 0 : i32
      %dma_start3A_23 = tpu.memref_slice %arg6[%arg0, %mul3A_17, %dma_start3A] : memref<2x10000x128xf32, #tpu.memory_space<hbm>> -> memref<1x624x128xf32, #tpu.memory_space<hbm>>
      %dma_start3A_24 = tpu.memref_squeeze %dma_start3A_23 : memref<1x624x128xf32, #tpu.memory_space<hbm>> -> memref<624x128xf32, #tpu.memory_space<hbm>>
      %dma_start3A_25 = arith.constant 0 : i32
      %dma_start3A_26 = tpu.memref_slice %arg10[%mul3A_15, %dma_start3A_25] : memref<10000x128xf32, #tpu.memory_space<vmem_shared>> -> memref<624x128xf32, #tpu.memory_space<vmem_shared>>
      tpu.enqueue_dma source(%dma_start3A_26 : memref<624x128xf32, #tpu.memory_space<vmem_shared>>) target(%dma_start3A_24 : memref<624x128xf32, #tpu.memory_space<hbm>>) target_semaphore(%run_scoped3A : memref<!tpu.dma_semaphore, #tpu.memory_space<semaphore_mem>>)
      %dma_wait3A = arith.constant 0 : i32
      %dma_wait3A_27 = tpu.memref_slice %arg6[%arg0, %mul3A_17, %dma_wait3A] : memref<2x10000x128xf32, #tpu.memory_space<hbm>> -> memref<1x624x128xf32, #tpu.memory_space<hbm>>
      %dma_wait3A_28 = tpu.memref_squeeze %dma_wait3A_27 : memref<1x624x128xf32, #tpu.memory_space<hbm>> -> memref<624x128xf32, #tpu.memory_space<hbm>>
      %dma_wait3A_29 = arith.constant 0 : i32
      %dma_wait3A_30 = tpu.memref_slice %arg10[%mul3A_15, %dma_wait3A_29] : memref<10000x128xf32, #tpu.memory_space<vmem_shared>> -> memref<624x128xf32, #tpu.memory_space<vmem_shared>>
      tpu.wait_dma2 semaphore(%run_scoped3A : memref<!tpu.dma_semaphore, #tpu.memory_space<semaphore_mem>>) src(%dma_wait3A_30 : memref<624x128xf32, #tpu.memory_space<vmem_shared>>) dst(%dma_wait3A_28 : memref<624x128xf32, #tpu.memory_space<hbm>>)
      tpu.yield
    }) : () -> ()
    %eq3A_18 = arith.constant 0 : i32
    %eq3A_19 = arith.cmpi eq, %arg1, %eq3A_18 : i32
    %convert_element_type3A_20 = arith.extui %eq3A_19 : i1 to i32
    %cond3A_21 = arith.constant 0 : i32
    %cond3A_22 = arith.cmpi ne, %convert_element_type3A_20, %cond3A_21 : i32
    scf.if %cond3A_22 {
      "tpu.region"() ({
        %run_scoped3A = tpu.sem_alloc : memref<!tpu.dma_semaphore, #tpu.memory_space<semaphore_mem>>
        %dma_start3A = arith.constant 9984 : i32
        %dma_start3A_23 = arith.constant 0 : i32
        %dma_start3A_24 = tpu.memref_slice %arg6[%arg0, %dma_start3A, %dma_start3A_23] : memref<2x10000x128xf32, #tpu.memory_space<hbm>> -> memref<1x16x128xf32, #tpu.memory_space<hbm>>
        %dma_start3A_25 = tpu.memref_squeeze %dma_start3A_24 : memref<1x16x128xf32, #tpu.memory_space<hbm>> -> memref<16x128xf32, #tpu.memory_space<hbm>>
        %dma_start3A_26 = arith.constant 9984 : i32
        %dma_start3A_27 = arith.constant 0 : i32
        %dma_start3A_28 = tpu.memref_slice %arg10[%dma_start3A_26, %dma_start3A_27] : memref<10000x128xf32, #tpu.memory_space<vmem_shared>> -> memref<16x128xf32, #tpu.memory_space<vmem_shared>>
        tpu.enqueue_dma source(%dma_start3A_28 : memref<16x128xf32, #tpu.memory_space<vmem_shared>>) target(%dma_start3A_25 : memref<16x128xf32, #tpu.memory_space<hbm>>) target_semaphore(%run_scoped3A : memref<!tpu.dma_semaphore, #tpu.memory_space<semaphore_mem>>)
        %dma_wait3A = arith.constant 9984 : i32
        %dma_wait3A_29 = arith.constant 0 : i32
        %dma_wait3A_30 = tpu.memref_slice %arg6[%arg0, %dma_wait3A, %dma_wait3A_29] : memref<2x10000x128xf32, #tpu.memory_space<hbm>> -> memref<1x16x128xf32, #tpu.memory_space<hbm>>
        %dma_wait3A_31 = tpu.memref_squeeze %dma_wait3A_30 : memref<1x16x128xf32, #tpu.memory_space<hbm>> -> memref<16x128xf32, #tpu.memory_space<hbm>>
        %dma_wait3A_32 = arith.constant 9984 : i32
        %dma_wait3A_33 = arith.constant 0 : i32
        %dma_wait3A_34 = tpu.memref_slice %arg10[%dma_wait3A_32, %dma_wait3A_33] : memref<10000x128xf32, #tpu.memory_space<vmem_shared>> -> memref<16x128xf32, #tpu.memory_space<vmem_shared>>
        tpu.wait_dma2 semaphore(%run_scoped3A : memref<!tpu.dma_semaphore, #tpu.memory_space<semaphore_mem>>) src(%dma_wait3A_34 : memref<16x128xf32, #tpu.memory_space<vmem_shared>>) dst(%dma_wait3A_31 : memref<16x128xf32, #tpu.memory_space<hbm>>)
        tpu.yield
      }) : () -> ()
    } else {
    }
    return
  }
}

module attributes {stable_mosaic.version = 14 : i64} {
  func.func @_pre_body(%arg0: memref<10000x128xf32, #tpu.memory_space<vmem>>, %arg1: memref<256x128xf32, #tpu.memory_space<vmem>>, %arg2: memref<10000x128xf32, #tpu.memory_space<vmem>>, %arg3: memref<10000x128xf32, #tpu.memory_space<vmem>>, %arg4: memref<64x10000xi32, #tpu.memory_space<vmem>>) attributes {dimension_semantics = [], scalar_prefetch = 0 : i64, scratch_operands = 0 : i64, tpu.core_type = #tpu.core_type<tc>} {
    %get3A = arith.constant 0 : index
    %get3A_0 = arith.constant 0 : index
    %get3A_1 = vector.load %arg0[%get3A, %get3A_0] : memref<10000x128xf32, #tpu.memory_space<vmem>>, vector<10000x128xf32>
    %get3A_2 = arith.constant 0 : index
    %get3A_3 = arith.constant 0 : index
    %get3A_4 = vector.load %arg1[%get3A_2, %get3A_3] : memref<256x128xf32, #tpu.memory_space<vmem>>, vector<256x128xf32>
    %slice3A = vector.extract_strided_slice %get3A_4 {offsets = [0, 0], sizes = [128, 128], strides = [1, 1]} : vector<256x128xf32> to vector<128x128xf32>
    %dot_general3A = arith.constant dense<0.000000e+00> : vector<10000x128xf32>
    %dot_general3A_5 = tpu.matmul %get3A_1, %slice3A, %dot_general3A {dimension_numbers = #tpu.dot_dimension_numbers<[1], [0], [0], [1], [0, 0, 1, 1], [], []>, transpose_lhs_hint = false} : vector<10000x128xf32>, vector<128x128xf32>, vector<10000x128xf32> -> vector<10000x128xf32>
    %swap3A = arith.constant 0 : index
    %swap3A_6 = arith.constant 0 : index
    %swap3A_7 = vector.load %arg2[%swap3A, %swap3A_6] : memref<10000x128xf32, #tpu.memory_space<vmem>>, vector<10000x128xf32>
    tpu.vector_store %arg2[%swap3A, %swap3A_6], %dot_general3A_5 {strides = array<i32>} : memref<10000x128xf32, #tpu.memory_space<vmem>>, vector<10000x128xf32>,
    %slice3A_8 = vector.extract_strided_slice %get3A_4 {offsets = [128, 0], sizes = [128, 128], strides = [1, 1]} : vector<256x128xf32> to vector<128x128xf32>
    %dot_general3A_9 = arith.constant dense<0.000000e+00> : vector<10000x128xf32>
    %dot_general3A_10 = tpu.matmul %get3A_1, %slice3A_8, %dot_general3A_9 {dimension_numbers = #tpu.dot_dimension_numbers<[1], [0], [0], [1], [0, 0, 1, 1], [], []>, transpose_lhs_hint = false} : vector<10000x128xf32>, vector<128x128xf32>, vector<10000x128xf32> -> vector<10000x128xf32>
    %swap3A_11 = arith.constant 0 : index
    %swap3A_12 = arith.constant 0 : index
    %swap3A_13 = vector.load %arg3[%swap3A_11, %swap3A_12] : memref<10000x128xf32, #tpu.memory_space<vmem>>, vector<10000x128xf32>
    tpu.vector_store %arg3[%swap3A_11, %swap3A_12], %dot_general3A_10 {strides = array<i32>} : memref<10000x128xf32, #tpu.memory_space<vmem>>, vector<10000x128xf32>,
    %transpose3A = tpu.transpose %dot_general3A_5, [1, 0] : vector<10000x128xf32> -> vector<128x10000xf32>
    %convert_element_type3A = arith.truncf %transpose3A : vector<128x10000xf32> to vector<128x10000xbf16>
    %slice3A_14 = vector.extract_strided_slice %convert_element_type3A {offsets = [0, 0], sizes = [64, 10000], strides = [1, 1]} : vector<128x10000xbf16> to vector<64x10000xbf16>
    %bitcast_convert_type3A = tpu.bitcast %slice3A_14 : vector<64x10000xbf16> -> vector<64x10000xi16>
    %convert_element_type3A_15 = arith.extui %bitcast_convert_type3A : vector<64x10000xi16> to vector<64x10000xi32>
    %slice3A_16 = vector.extract_strided_slice %convert_element_type3A {offsets = [64, 0], sizes = [64, 10000], strides = [1, 1]} : vector<128x10000xbf16> to vector<64x10000xbf16>
    %bitcast_convert_type3A_17 = tpu.bitcast %slice3A_16 : vector<64x10000xbf16> -> vector<64x10000xi16>
    %convert_element_type3A_18 = arith.extui %bitcast_convert_type3A_17 : vector<64x10000xi16> to vector<64x10000xi32>
    %shift_left3A = arith.constant 16 : i32
    %shift_left3A_19 = vector.broadcast %shift_left3A : i32 to vector<64x10000xi32>
    %shift_left3A_20 = arith.shli %convert_element_type3A_18, %shift_left3A_19 : vector<64x10000xi32>
    %or3A = arith.ori %convert_element_type3A_15, %shift_left3A_20 : vector<64x10000xi32>
    %bitcast_convert_type3A_21 = tpu.bitcast %or3A : vector<64x10000xi32> -> vector<64x10000xi32>
    %swap3A_22 = arith.constant 0 : index
    %swap3A_23 = arith.constant 0 : index
    %swap3A_24 = vector.load %arg4[%swap3A_22, %swap3A_23] : memref<64x10000xi32, #tpu.memory_space<vmem>>, vector<64x10000xi32>
    tpu.vector_store %arg4[%swap3A_22, %swap3A_23], %bitcast_convert_type3A_21 {strides = array<i32>} : memref<64x10000xi32, #tpu.memory_space<vmem>>, vector<64x10000xi32>,
    return
  }
}

module attributes {stable_mosaic.version = 14 : i64} {
  func.func @_post_deg_body(%arg0: memref<10000x1xf32, #tpu.memory_space<vmem>>, %arg1: memref<10000x128xf32, #tpu.memory_space<vmem>>, %arg2: memref<10000x128xf32, #tpu.memory_space<vmem>>) attributes {dimension_semantics = [], scalar_prefetch = 0 : i64, scratch_operands = 0 : i64, tpu.core_type = #tpu.core_type<tc>} {
    %get3A = arith.constant 0 : index
    %get3A_0 = arith.constant 0 : index
    %get3A_1 = vector.load %arg0[%get3A, %get3A_0] : memref<10000x1xf32, #tpu.memory_space<vmem>>, vector<10000x1xf32>
    %add3A = arith.constant 1.000000e+00 : f32
    %add3A_2 = vector.broadcast %add3A : f32 to vector<10000x1xf32>
    %add3A_3 = arith.addf %get3A_1, %add3A_2 : vector<10000x1xf32>
    %div3A = arith.constant 1.000000e+00 : f32
    %div3A_4 = vector.broadcast %div3A : f32 to vector<10000x1xf32>
    %div3A_5 = arith.divf %div3A_4, %add3A_3 : vector<10000x1xf32>
    %broadcast_in_dim3A = vector.shape_cast %div3A_5 : vector<10000x1xf32> to vector<10000x1xf32>
    %broadcast_in_dim3A_6 = vector.broadcast %broadcast_in_dim3A : vector<10000x1xf32> to vector<10000x128xf32>
    %swap3A = arith.constant 0 : index
    %swap3A_7 = arith.constant 0 : index
    %swap3A_8 = vector.load %arg1[%swap3A, %swap3A_7] : memref<10000x128xf32, #tpu.memory_space<vmem>>, vector<10000x128xf32>
    tpu.vector_store %arg1[%swap3A, %swap3A_7], %broadcast_in_dim3A_6 {strides = array<i32>} : memref<10000x128xf32, #tpu.memory_space<vmem>>, vector<10000x128xf32>,
    %log1p3A = math.log1p %add3A_3 : vector<10000x1xf32>
    %div3A_9 = arith.constant 2.500000e+00 : f32
    %div3A_10 = vector.broadcast %div3A_9 : f32 to vector<10000x1xf32>
    %div3A_11 = arith.divf %log1p3A, %div3A_10 : vector<10000x1xf32>
    %broadcast_in_dim3A_12 = vector.shape_cast %div3A_11 : vector<10000x1xf32> to vector<10000x1xf32>
    %broadcast_in_dim3A_13 = vector.broadcast %broadcast_in_dim3A_12 : vector<10000x1xf32> to vector<10000x128xf32>
    %swap3A_14 = arith.constant 0 : index
    %swap3A_15 = arith.constant 0 : index
    %swap3A_16 = vector.load %arg2[%swap3A_14, %swap3A_15] : memref<10000x128xf32, #tpu.memory_space<vmem>>, vector<10000x128xf32>
    tpu.vector_store %arg2[%swap3A_14, %swap3A_15], %broadcast_in_dim3A_13 {strides = array<i32>} : memref<10000x128xf32, #tpu.memory_space<vmem>>, vector<10000x128xf32>,
    return
  }
}

module attributes {stable_mosaic.version = 14 : i64} {
  func.func @_post_max_body(%arg0: memref<10000x128xf32, #tpu.memory_space<vmem>>, %arg1: memref<10000x128xf32, #tpu.memory_space<vmem>>, %arg2: memref<64x10000xi32, #tpu.memory_space<vmem>>, %arg3: memref<128xf32, #tpu.memory_space<vmem>>, %arg4: memref<10000x128xf32, #tpu.memory_space<vmem>>, %arg5: memref<10000x128xf32, #tpu.memory_space<vmem>>, %arg6: memref<10000x128xf32, #tpu.memory_space<vmem>>) attributes {dimension_semantics = [], scalar_prefetch = 0 : i64, scratch_operands = 0 : i64, tpu.core_type = #tpu.core_type<tc>} {
    %get3A = arith.constant 0 : index
    %get3A_0 = arith.constant 0 : index
    %get3A_1 = vector.load %arg1[%get3A, %get3A_0] : memref<10000x128xf32, #tpu.memory_space<vmem>>, vector<10000x128xf32>
    %get3A_2 = arith.constant 0 : index
    %get3A_3 = vector.load %arg3[%get3A_2] : memref<128xf32, #tpu.memory_space<vmem>>, vector<128xf32>
    %broadcast_in_dim3A = vector.shape_cast %get3A_3 : vector<128xf32> to vector<1x128xf32>
    %add3A = vector.broadcast %broadcast_in_dim3A : vector<1x128xf32> to vector<10000x128xf32>
    %add3A_4 = arith.addf %get3A_1, %add3A : vector<10000x128xf32>
    %get3A_5 = arith.constant 0 : index
    %get3A_6 = arith.constant 0 : index
    %get3A_7 = vector.load %arg2[%get3A_5, %get3A_6] : memref<64x10000xi32, #tpu.memory_space<vmem>>, vector<64x10000xi32>
    %shift_left3A = arith.constant 16 : i32
    %shift_left3A_8 = vector.broadcast %shift_left3A : i32 to vector<64x10000xi32>
    %shift_left3A_9 = arith.shli %get3A_7, %shift_left3A_8 : vector<64x10000xi32>
    %bitcast_convert_type3A = tpu.bitcast %shift_left3A_9 : vector<64x10000xi32> -> vector<64x10000xf32>
    %and3A = arith.constant -65536 : i32
    %and3A_10 = vector.broadcast %and3A : i32 to vector<64x10000xi32>
    %and3A_11 = arith.andi %get3A_7, %and3A_10 : vector<64x10000xi32>
    %bitcast_convert_type3A_12 = tpu.bitcast %and3A_11 : vector<64x10000xi32> -> vector<64x10000xf32>
    %concatenate3A = tpu.concatenate %bitcast_convert_type3A, %bitcast_convert_type3A_12 in 0 : vector<64x10000xf32>, vector<64x10000xf32> -> vector<128x10000xf32>
    %transpose3A = tpu.transpose %concatenate3A, [1, 0] : vector<128x10000xf32> -> vector<10000x128xf32>
    %get3A_13 = arith.constant 0 : index
    %get3A_14 = arith.constant 0 : index
    %get3A_15 = vector.load %arg0[%get3A_13, %get3A_14] : memref<10000x128xf32, #tpu.memory_space<vmem>>, vector<10000x128xf32>
    %max3A = arith.maximumf %transpose3A, %get3A_15 : vector<10000x128xf32>
    %add3A_16 = arith.addf %max3A, %add3A_4 : vector<10000x128xf32>
    %swap3A = arith.constant 0 : index
    %swap3A_17 = arith.constant 0 : index
    %swap3A_18 = vector.load %arg5[%swap3A, %swap3A_17] : memref<10000x128xf32, #tpu.memory_space<vmem>>, vector<10000x128xf32>
    tpu.vector_store %arg5[%swap3A, %swap3A_17], %add3A_16 {strides = array<i32>} : memref<10000x128xf32, #tpu.memory_space<vmem>>, vector<10000x128xf32>,
    %get3A_19 = arith.constant 0 : index
    %get3A_20 = arith.constant 0 : index
    %get3A_21 = vector.load %arg4[%get3A_19, %get3A_20] : memref<10000x128xf32, #tpu.memory_space<vmem>>, vector<10000x128xf32>
    %mul3A = arith.mulf %get3A_21, %add3A_16 : vector<10000x128xf32>
    %swap3A_22 = arith.constant 0 : index
    %swap3A_23 = arith.constant 0 : index
    %swap3A_24 = vector.load %arg6[%swap3A_22, %swap3A_23] : memref<10000x128xf32, #tpu.memory_space<vmem>>, vector<10000x128xf32>
    tpu.vector_store %arg6[%swap3A_22, %swap3A_23], %mul3A {strides = array<i32>} : memref<10000x128xf32, #tpu.memory_space<vmem>>, vector<10000x128xf32>,
    return
  }
}

module attributes {stable_mosaic.version = 14 : i64} {
  func.func @_post_mean_body(%arg0: memref<10000x128xf32, #tpu.memory_space<vmem>>, %arg1: memref<10000x128xf32, #tpu.memory_space<vmem>>, %arg2: memref<2x10000x128xf32, #tpu.memory_space<vmem>>, %arg3: memref<128xf32, #tpu.memory_space<vmem>>, %arg4: memref<10000x128xf32, #tpu.memory_space<vmem>>, %arg5: memref<10000x128xf32, #tpu.memory_space<vmem>>, %arg6: memref<10000x128xf32, #tpu.memory_space<vmem>>, %arg7: memref<10000x128xf32, #tpu.memory_space<vmem>>) attributes {dimension_semantics = [], scalar_prefetch = 0 : i64, scratch_operands = 0 : i64, tpu.core_type = #tpu.core_type<tc>} {
    %get3A = arith.constant 0 : index
    %get3A_0 = arith.constant 0 : index
    %get3A_1 = vector.load %arg1[%get3A, %get3A_0] : memref<10000x128xf32, #tpu.memory_space<vmem>>, vector<10000x128xf32>
    %get3A_2 = arith.constant 0 : index
    %get3A_3 = vector.load %arg3[%get3A_2] : memref<128xf32, #tpu.memory_space<vmem>>, vector<128xf32>
    %broadcast_in_dim3A = vector.shape_cast %get3A_3 : vector<128xf32> to vector<1x128xf32>
    %add3A = vector.broadcast %broadcast_in_dim3A : vector<1x128xf32> to vector<10000x128xf32>
    %add3A_4 = arith.addf %get3A_1, %add3A : vector<10000x128xf32>
    %get3A_5 = arith.constant 0 : index
    %get3A_6 = arith.constant 0 : index
    %get3A_7 = arith.constant 0 : index
    %get3A_8 = vector.load %arg2[%get3A_5, %get3A_6, %get3A_7] : memref<2x10000x128xf32, #tpu.memory_space<vmem>>, vector<1x10000x128xf32>
    %get3A_9 = vector.shape_cast %get3A_8 : vector<1x10000x128xf32> to vector<10000x128xf32>
    %get3A_10 = arith.constant 1 : index
    %get3A_11 = arith.constant 0 : index
    %get3A_12 = arith.constant 0 : index
    %get3A_13 = vector.load %arg2[%get3A_10, %get3A_11, %get3A_12] : memref<2x10000x128xf32, #tpu.memory_space<vmem>>, vector<1x10000x128xf32>
    %get3A_14 = vector.shape_cast %get3A_13 : vector<1x10000x128xf32> to vector<10000x128xf32>
    %add3A_15 = arith.addf %get3A_9, %get3A_14 : vector<10000x128xf32>
    %get3A_16 = arith.constant 0 : index
    %get3A_17 = arith.constant 0 : index
    %get3A_18 = vector.load %arg0[%get3A_16, %get3A_17] : memref<10000x128xf32, #tpu.memory_space<vmem>>, vector<10000x128xf32>
    %add3A_19 = arith.addf %add3A_15, %get3A_18 : vector<10000x128xf32>
    %get3A_20 = arith.constant 0 : index
    %get3A_21 = arith.constant 0 : index
    %get3A_22 = vector.load %arg4[%get3A_20, %get3A_21] : memref<10000x128xf32, #tpu.memory_space<vmem>>, vector<10000x128xf32>
    %mul3A = arith.mulf %add3A_19, %get3A_22 : vector<10000x128xf32>
    %add3A_23 = arith.addf %mul3A, %add3A_4 : vector<10000x128xf32>
    %swap3A = arith.constant 0 : index
    %swap3A_24 = arith.constant 0 : index
    %swap3A_25 = vector.load %arg6[%swap3A, %swap3A_24] : memref<10000x128xf32, #tpu.memory_space<vmem>>, vector<10000x128xf32>
    tpu.vector_store %arg6[%swap3A, %swap3A_24], %add3A_23 {strides = array<i32>} : memref<10000x128xf32, #tpu.memory_space<vmem>>, vector<10000x128xf32>,
    %get3A_26 = arith.constant 0 : index
    %get3A_27 = arith.constant 0 : index
    %get3A_28 = vector.load %arg5[%get3A_26, %get3A_27] : memref<10000x128xf32, #tpu.memory_space<vmem>>, vector<10000x128xf32>
    %mul3A_29 = arith.mulf %get3A_28, %add3A_23 : vector<10000x128xf32>
    %swap3A_30 = arith.constant 0 : index
    %swap3A_31 = arith.constant 0 : index
    %swap3A_32 = vector.load %arg7[%swap3A_30, %swap3A_31] : memref<10000x128xf32, #tpu.memory_space<vmem>>, vector<10000x128xf32>
    tpu.vector_store %arg7[%swap3A_30, %swap3A_31], %mul3A_29 {strides = array<i32>} : memref<10000x128xf32, #tpu.memory_space<vmem>>, vector<10000x128xf32>,
    return
  }
}

module attributes {stable_mosaic.version = 14 : i64} {
  func.func @_post_b_body(%arg0: memref<10000x128xf32, #tpu.memory_space<vmem>>, %arg1: memref<10000x128xf32, #tpu.memory_space<vmem>>, %arg2: memref<10000x128xf32, #tpu.memory_space<vmem>>, %arg3: memref<10000x128xf32, #tpu.memory_space<vmem>>, %arg4: memref<10000x128xf32, #tpu.memory_space<vmem>>, %arg5: memref<896x128xf32, #tpu.memory_space<vmem>>, %arg6: memref<128xf32, #tpu.memory_space<vmem>>, %arg7: memref<128xf32, #tpu.memory_space<vmem>>, %arg8: memref<128xf32, #tpu.memory_space<vmem>>, %arg9: memref<128x128xf32, #tpu.memory_space<vmem>>, %arg10: memref<128xf32, #tpu.memory_space<vmem>>, %arg11: memref<10000x128xf32, #tpu.memory_space<vmem>>) attributes {dimension_semantics = [], scalar_prefetch = 0 : i64, scratch_operands = 0 : i64, tpu.core_type = #tpu.core_type<tc>} {
    %get3A = arith.constant 0 : index
    %get3A_0 = arith.constant 0 : index
    %get3A_1 = vector.load %arg0[%get3A, %get3A_0] : memref<10000x128xf32, #tpu.memory_space<vmem>>, vector<10000x128xf32>
    %get3A_2 = arith.constant 0 : index
    %get3A_3 = arith.constant 0 : index
    %get3A_4 = vector.load %arg5[%get3A_2, %get3A_3] : memref<896x128xf32, #tpu.memory_space<vmem>>, vector<896x128xf32>
    %slice3A = vector.extract_strided_slice %get3A_4 {offsets = [0, 0], sizes = [128, 128], strides = [1, 1]} : vector<896x128xf32> to vector<128x128xf32>
    %dot_general3A = arith.constant dense<0.000000e+00> : vector<10000x128xf32>
    %dot_general3A_5 = tpu.matmul %get3A_1, %slice3A, %dot_general3A {dimension_numbers = #tpu.dot_dimension_numbers<[1], [0], [0], [1], [0, 0, 1, 1], [], []>, transpose_lhs_hint = false} : vector<10000x128xf32>, vector<128x128xf32>, vector<10000x128xf32> -> vector<10000x128xf32>
    %get3A_6 = arith.constant 0 : index
    %get3A_7 = arith.constant 0 : index
    %get3A_8 = vector.load %arg1[%get3A_6, %get3A_7] : memref<10000x128xf32, #tpu.memory_space<vmem>>, vector<10000x128xf32>
    %slice3A_9 = vector.extract_strided_slice %get3A_4 {offsets = [128, 0], sizes = [128, 128], strides = [1, 1]} : vector<896x128xf32> to vector<128x128xf32>
    %slice3A_10 = vector.extract_strided_slice %get3A_4 {offsets = [384, 0], sizes = [128, 128], strides = [1, 1]} : vector<896x128xf32> to vector<128x128xf32>
    %add3A = arith.addf %slice3A_9, %slice3A_10 : vector<128x128xf32>
    %dot_general3A_11 = arith.constant dense<0.000000e+00> : vector<10000x128xf32>
    %dot_general3A_12 = tpu.matmul %get3A_8, %add3A, %dot_general3A_11 {dimension_numbers = #tpu.dot_dimension_numbers<[1], [0], [0], [1], [0, 0, 1, 1], [], []>, transpose_lhs_hint = false} : vector<10000x128xf32>, vector<128x128xf32>, vector<10000x128xf32> -> vector<10000x128xf32>
    %add3A_13 = arith.addf %dot_general3A_5, %dot_general3A_12 : vector<10000x128xf32>
    %get3A_14 = arith.constant 0 : index
    %get3A_15 = arith.constant 0 : index
    %get3A_16 = vector.load %arg2[%get3A_14, %get3A_15] : memref<10000x128xf32, #tpu.memory_space<vmem>>, vector<10000x128xf32>
    %slice3A_17 = vector.extract_strided_slice %get3A_4 {offsets = [256, 0], sizes = [128, 128], strides = [1, 1]} : vector<896x128xf32> to vector<128x128xf32>
    %dot_general3A_18 = arith.constant dense<0.000000e+00> : vector<10000x128xf32>
    %dot_general3A_19 = tpu.matmul %get3A_16, %slice3A_17, %dot_general3A_18 {dimension_numbers = #tpu.dot_dimension_numbers<[1], [0], [0], [1], [0, 0, 1, 1], [], []>, transpose_lhs_hint = false} : vector<10000x128xf32>, vector<128x128xf32>, vector<10000x128xf32> -> vector<10000x128xf32>
    %add3A_20 = arith.addf %add3A_13, %dot_general3A_19 : vector<10000x128xf32>
    %get3A_21 = arith.constant 0 : index
    %get3A_22 = arith.constant 0 : index
    %get3A_23 = vector.load %arg3[%get3A_21, %get3A_22] : memref<10000x128xf32, #tpu.memory_space<vmem>>, vector<10000x128xf32>
    %slice3A_24 = vector.extract_strided_slice %get3A_4 {offsets = [512, 0], sizes = [128, 128], strides = [1, 1]} : vector<896x128xf32> to vector<128x128xf32>
    %slice3A_25 = vector.extract_strided_slice %get3A_4 {offsets = [768, 0], sizes = [128, 128], strides = [1, 1]} : vector<896x128xf32> to vector<128x128xf32>
    %add3A_26 = arith.addf %slice3A_24, %slice3A_25 : vector<128x128xf32>
    %dot_general3A_27 = arith.constant dense<0.000000e+00> : vector<10000x128xf32>
    %dot_general3A_28 = tpu.matmul %get3A_23, %add3A_26, %dot_general3A_27 {dimension_numbers = #tpu.dot_dimension_numbers<[1], [0], [0], [1], [0, 0, 1, 1], [], []>, transpose_lhs_hint = false} : vector<10000x128xf32>, vector<128x128xf32>, vector<10000x128xf32> -> vector<10000x128xf32>
    %add3A_29 = arith.addf %add3A_20, %dot_general3A_28 : vector<10000x128xf32>
    %get3A_30 = arith.constant 0 : index
    %get3A_31 = arith.constant 0 : index
    %get3A_32 = vector.load %arg4[%get3A_30, %get3A_31] : memref<10000x128xf32, #tpu.memory_space<vmem>>, vector<10000x128xf32>
    %slice3A_33 = vector.extract_strided_slice %get3A_4 {offsets = [640, 0], sizes = [128, 128], strides = [1, 1]} : vector<896x128xf32> to vector<128x128xf32>
    %dot_general3A_34 = arith.constant dense<0.000000e+00> : vector<10000x128xf32>
    %dot_general3A_35 = tpu.matmul %get3A_32, %slice3A_33, %dot_general3A_34 {dimension_numbers = #tpu.dot_dimension_numbers<[1], [0], [0], [1], [0, 0, 1, 1], [], []>, transpose_lhs_hint = false} : vector<10000x128xf32>, vector<128x128xf32>, vector<10000x128xf32> -> vector<10000x128xf32>
    %add3A_36 = arith.addf %add3A_29, %dot_general3A_35 : vector<10000x128xf32>
    %get3A_37 = arith.constant 0 : index
    %get3A_38 = vector.load %arg6[%get3A_37] : memref<128xf32, #tpu.memory_space<vmem>>, vector<128xf32>
    %broadcast_in_dim3A = vector.shape_cast %get3A_38 : vector<128xf32> to vector<1x128xf32>
    %add3A_39 = vector.broadcast %broadcast_in_dim3A : vector<1x128xf32> to vector<10000x128xf32>
    %add3A_40 = arith.addf %add3A_36, %add3A_39 : vector<10000x128xf32>
    %reduce_sum3A = arith.constant dense<0.000000e+00> : vector<128xf32>
    %reduce_sum3A_41 = vector.multi_reduction <add>, %add3A_40, %reduce_sum3A [0] : vector<10000x128xf32> to vector<128xf32>
    %broadcast_in_dim3A_42 = vector.shape_cast %reduce_sum3A_41 : vector<128xf32> to vector<1x128xf32>
    %div3A = arith.constant 1.000000e+04 : f32
    %div3A_43 = vector.broadcast %div3A : f32 to vector<1x128xf32>
    %div3A_44 = arith.divf %broadcast_in_dim3A_42, %div3A_43 : vector<1x128xf32>
    %sub3A = vector.broadcast %div3A_44 : vector<1x128xf32> to vector<10000x128xf32>
    %sub3A_45 = arith.subf %add3A_40, %sub3A : vector<10000x128xf32>
    %integer_pow3A = arith.mulf %sub3A_45, %sub3A_45 : vector<10000x128xf32>
    %reduce_sum3A_46 = arith.constant dense<0.000000e+00> : vector<128xf32>
    %reduce_sum3A_47 = vector.multi_reduction <add>, %integer_pow3A, %reduce_sum3A_46 [0] : vector<10000x128xf32> to vector<128xf32>
    %broadcast_in_dim3A_48 = vector.shape_cast %reduce_sum3A_47 : vector<128xf32> to vector<1x128xf32>
    %div3A_49 = arith.constant 1.000000e+04 : f32
    %div3A_50 = vector.broadcast %div3A_49 : f32 to vector<1x128xf32>
    %div3A_51 = arith.divf %broadcast_in_dim3A_48, %div3A_50 : vector<1x128xf32>
    %sub3A_52 = vector.broadcast %div3A_44 : vector<1x128xf32> to vector<10000x128xf32>
    %sub3A_53 = arith.subf %add3A_40, %sub3A_52 : vector<10000x128xf32>
    %add3A_54 = arith.constant 9.99999974E-6 : f32
    %add3A_55 = vector.broadcast %add3A_54 : f32 to vector<1x128xf32>
    %add3A_56 = arith.addf %div3A_51, %add3A_55 : vector<1x128xf32>
    %rsqrt3A = math.rsqrt %add3A_56 : vector<1x128xf32>
    %mul3A = vector.broadcast %rsqrt3A : vector<1x128xf32> to vector<10000x128xf32>
    %mul3A_57 = arith.mulf %sub3A_53, %mul3A : vector<10000x128xf32>
    %get3A_58 = arith.constant 0 : index
    %get3A_59 = vector.load %arg7[%get3A_58] : memref<128xf32, #tpu.memory_space<vmem>>, vector<128xf32>
    %broadcast_in_dim3A_60 = vector.shape_cast %get3A_59 : vector<128xf32> to vector<1x128xf32>
    %mul3A_61 = vector.broadcast %broadcast_in_dim3A_60 : vector<1x128xf32> to vector<10000x128xf32>
    %mul3A_62 = arith.mulf %mul3A_57, %mul3A_61 : vector<10000x128xf32>
    %get3A_63 = arith.constant 0 : index
    %get3A_64 = vector.load %arg8[%get3A_63] : memref<128xf32, #tpu.memory_space<vmem>>, vector<128xf32>
    %broadcast_in_dim3A_65 = vector.shape_cast %get3A_64 : vector<128xf32> to vector<1x128xf32>
    %add3A_66 = vector.broadcast %broadcast_in_dim3A_65 : vector<1x128xf32> to vector<10000x128xf32>
    %add3A_67 = arith.addf %mul3A_62, %add3A_66 : vector<10000x128xf32>
    %get3A_68 = arith.constant 0 : index
    %get3A_69 = arith.constant 0 : index
    %get3A_70 = vector.load %arg9[%get3A_68, %get3A_69] : memref<128x128xf32, #tpu.memory_space<vmem>>, vector<128x128xf32>
    %dot_general3A_71 = arith.constant dense<0.000000e+00> : vector<10000x128xf32>
    %dot_general3A_72 = tpu.matmul %add3A_67, %get3A_70, %dot_general3A_71 {dimension_numbers = #tpu.dot_dimension_numbers<[1], [0], [0], [1], [0, 0, 1, 1], [], []>, transpose_lhs_hint = false} : vector<10000x128xf32>, vector<128x128xf32>, vector<10000x128xf32> -> vector<10000x128xf32>
    %get3A_73 = arith.constant 0 : index
    %get3A_74 = vector.load %arg10[%get3A_73] : memref<128xf32, #tpu.memory_space<vmem>>, vector<128xf32>
    %broadcast_in_dim3A_75 = vector.shape_cast %get3A_74 : vector<128xf32> to vector<1x128xf32>
    %add3A_76 = vector.broadcast %broadcast_in_dim3A_75 : vector<1x128xf32> to vector<10000x128xf32>
    %add3A_77 = arith.addf %dot_general3A_72, %add3A_76 : vector<10000x128xf32>
    %ge3A = arith.constant 0.000000e+00 : f32
    %ge3A_78 = vector.broadcast %ge3A : f32 to vector<10000x128xf32>
    %ge3A_79 = arith.cmpf oge, %add3A_77, %ge3A_78 : vector<10000x128xf32>
    %mul3A_80 = arith.constant 0.00999999977 : f32
    %mul3A_81 = vector.broadcast %mul3A_80 : f32 to vector<10000x128xf32>
    %mul3A_82 = arith.mulf %mul3A_81, %add3A_77 : vector<10000x128xf32>
    %select_n3A = arith.select %ge3A_79, %add3A_77, %mul3A_82 : vector<10000x128xi1>, vector<10000x128xf32>
    %add3A_83 = arith.addf %select_n3A, %get3A_1 : vector<10000x128xf32>
    %swap3A = arith.constant 0 : index
    %swap3A_84 = arith.constant 0 : index
    %swap3A_85 = vector.load %arg11[%swap3A, %swap3A_84] : memref<10000x128xf32, #tpu.memory_space<vmem>>, vector<10000x128xf32>
    tpu.vector_store %arg11[%swap3A, %swap3A_84], %add3A_83 {strides = array<i32>} : memref<10000x128xf32, #tpu.memory_space<vmem>>, vector<10000x128xf32>,
    return
  }
}

</mosaic_0001>

<sc_bundles>
// kernel: kernel.12.cloned.1.call-start
scs
__scs_entry_jumppad:
0x0: {  	(pc) =	sbr.rel $0x88, $3  }
0x1: {  	(tag) =	ssettag $0x0;
	lr =	simm.s32 $0x1  }
0x2: {  	[smem:$0x3F97] =	sst lr;
	_ =	strace $0xD0000000  }
0x3: {  	_ = 	snop  }
0x4: {  	_ = 	snop  }
0x5: {  	_ = 	snop  }
0x6: {  	_ = 	snop  }
0x7: {  	_ = 	snop  }
__scs_overlays_trampoline_lowered:
0x8: {  	[smem:$0x3FA6] =	sst s0  }
0x9: {  	[smem:$0x3FA7] =	sst s1  }
0xa: {  	[smem:$0x3FA8] =	sst s2  }
0xb: {  	[smem:$0x3FA9] =	sst s3  }
0xc: {  	[smem:$0x3FAA] =	sst s4  }
0xd: {  	[smem:$0x3FAB] =	sst s5  }
0xe: {  	[smem:$0x3FAC] =	sst s6  }
0xf: {  	[smem:$0x3FAD] =	sst s7  }
0x10: {  	[smem:$0x3FAE] =	sst s8  }
0x11: {  	[smem:$0x3FAF] =	sst s9;
	s0 =	simm.s32 @!p0 $0x0  }
0x12: {  	s1 =	sld [smem:$0x3F95];
	s0 =	simm.s32 @p0 $0x1  }
0x13: {  	[smem:$0x3FB0] =	sst s0;
	s0 =	simm.s32 @!p1 $0x0  }
0x14: {  	s2 =	sld [smem:$0x3F94];
	s0 =	simm.s32 @p1 $0x1  }
0x15: {  	[smem:$0x3FB1] =	sst s0;
	s0 =	simm.s32 @!p2 $0x0  }
0x16: {  	s3 =	sld [smem:$0x3FDB];
	s0 =	simm.s32 @p2 $0x1  }
0x17: {  	s4 =	simm.s32 $0x1BF5;
	[smem:$0x3FB3] =	sst s0  }
0x18: {  	s0 =	sld [smem:$0x3F96];
	_ =	swait.ge [sflag:s4], $0x0  }
0x19: {  	s7 =	sld [smem:$0x3F97]  }
0x1a: {  	s8 =	sadd.s32 $0xFFFFE003, lr  }
0x1b: {  	s9 =	sadd.s32 $0xFFFFFEF7, lr;
	s5 =	simm.s32 $0xFFFFFFFF;
	p2 =	slt.u32 s8, $0xFFFFF086  }
0x1c: {  	p1 =	slt.u32 s9, $0xF7A;
	s5 =	simm.s32 @!p2 $0x0  }
0x1d: {  	s5 =	simm.s32 @p1 $0x1;
	p0 =	seq.s32 s7, s2  }
0x1e: {  	s7 =	smul.u32 @!p0 $0xF7A, s2;
	p2 =	seq.s32 @!p0 s5, $0x0  }
0x1f: {  	s9 =	smul.u32 $0xF7A, s1;
	s8 =	simm.s32 @!p0 $0x1BF5;
	p2 =	por !p2, p0  }
0x20: {  	[sflag:s8] =	ssyncset.s32 @!p0 $0xFFFFF086;
	s6 =	sadd.s32 @!p0 s3, s7;
	s7 =	simm.s32 @!p0 $0x108  }
0x21: {  	s3 =	sadd.s32 s3, s9;
	s6 =	sadd.s32 @!p0 $0x88, s6;
	s7 =	simm.s32 @p2 $0x1082  }
0x22: {  	[simem:s7], [sflag:s8] =	dma.local @!p0 [hbm:s6], $0xF7A  }
0x23: {  	s9 =	sor.u32 $0xD0000000, s2;
	s6 =	simm.s32 $0x108;
	_ =	swait.ge @!p0 [sflag:s8], $0x0  }
0x24: {  	s3 =	sadd.s32 $0x88, s3;
	s6 =	simm.s32 @!p1 $0x1082;
	[sflag:s4] =	ssyncset.s32 $0xFFFFF086  }
0x25: {  	[simem:s6], [sflag:s4] =	dma.local [hbm:s3], $0xF7A  }
0x26: {  	[smem:$0x3F97] =	sst s1;
	(tag) =	ssettag s2;
	_ =	strace s9  }
0x27: {  	s1 =	sld [smem:$0x3FA7]  }
0x28: {  	s2 =	sld [smem:$0x3FA8]  }
0x29: {  	s4 =	sld [smem:$0x3FAA]  }
0x2a: {  	p0 =	seq.s32 s5, $0x0;
	s5 =	sld [smem:$0x3FAB]  }
0x2b: {  	s6 =	sld [smem:$0x3FAC]  }
0x2c: {  	s7 =	sld [smem:$0x3FAD]  }
0x2d: {  	s3 =	simm.s32 $0x108;
	s8 =	sld [smem:$0x3FAE]  }
0x2e: {  	s3 =	simm.s32 @!p0 $0x1082;
	s9 =	sld [smem:$0x3FAF]  }
0x2f: {  	lr =	sadd.s32 s0, s3;
	s0 =	sld [smem:$0x3FA6]  }
0x30: {  	s3 =	sld [smem:$0x3FA9]  }
0x31: {  	[smem:$0x3FB2] =	sst s10  }
0x32: {  	s10 =	sld [smem:$0x3FB0];
	_ =	sdelay $0x3  }
0x33: {  	p0 =	seq.s32 s10, $0x1;
	s10 =	sld [smem:$0x3FB2];
	_ =	sdelay $0x3  }
0x34: {  	[smem:$0x3FB2] =	sst s10  }
0x35: {  	s10 =	sld [smem:$0x3FB1];
	_ =	sdelay $0x3  }
0x36: {  	p1 =	seq.s32 s10, $0x1;
	s10 =	sld [smem:$0x3FB2];
	_ =	sdelay $0x3  }
0x37: {  	[smem:$0x3FB2] =	sst s10  }
0x38: {  	s10 =	sld [smem:$0x3FB3]  }
0x39: {  	_ = 	snop;
	(pc) =	sbr.ind lr, $3  }
0x3a: {  	_ = 	snop  }
0x3b: {  	_ = 	snop  }
0x3c: {  	p2 =	seq.s32 s10, $0x1;
	s10 =	sld [smem:$0x3FB2]  }
0x3d: {  	_ =	shalt  }
0x3e: {  	_ =	shalt  }
0x3f: {  	_ =	shalt  }
0x40: {  	_ =	shalt  }
0x41: {  	_ =	shalt  }
0x42: {  	_ =	shalt  }
0x43: {  	_ =	shalt  }
0x44: {  	_ =	shalt  }
0x45: {  	_ =	shalt  }
0x46: {  	_ =	shalt  }
0x47: {  	_ =	shalt  }
0x48: {  	_ =	shalt  }
0x49: {  	_ =	shalt  }
0x4a: {  	_ =	shalt  }
0x4b: {  	_ =	shalt  }
0x4c: {  	_ =	shalt  }
0x4d: {  	_ =	shalt  }
0x4e: {  	_ =	shalt  }
0x4f: {  	_ =	shalt  }
0x50: {  	_ =	shalt  }
0x51: {  	_ =	shalt  }
0x52: {  	_ =	shalt  }
0x53: {  	_ =	shalt  }
0x54: {  	_ =	shalt  }
0x55: {  	_ =	shalt  }
0x56: {  	_ =	shalt  }
0x57: {  	_ =	shalt  }
0x58: {  	_ =	shalt  }
0x59: {  	_ =	shalt  }
0x5a: {  	_ =	shalt  }
0x5b: {  	_ =	shalt  }
0x5c: {  	_ =	shalt  }
0x5d: {  	_ =	shalt  }
0x5e: {  	_ =	shalt  }
0x5f: {  	_ =	shalt  }
0x60: {  	_ =	shalt  }
0x61: {  	_ =	shalt  }
0x62: {  	_ =	shalt  }
0x63: {  	_ =	shalt  }
0x64: {  	_ =	shalt  }
0x65: {  	_ =	shalt  }
0x66: {  	_ =	shalt  }
0x67: {  	_ =	shalt  }
0x68: {  	_ =	shalt  }
0x69: {  	_ =	shalt  }
0x6a: {  	_ =	shalt  }
0x6b: {  	_ =	shalt  }
0x6c: {  	_ =	shalt  }
0x6d: {  	_ =	shalt  }
0x6e: {  	_ =	shalt  }
0x6f: {  	_ =	shalt  }
0x70: {  	_ =	shalt  }
0x71: {  	_ =	shalt  }
0x72: {  	_ =	shalt  }
0x73: {  	_ =	shalt  }
0x74: {  	_ =	shalt  }
0x75: {  	_ =	shalt  }
0x76: {  	_ =	shalt  }
0x77: {  	_ =	shalt  }
0x78: {  	_ =	shalt  }
0x79: {  	_ =	shalt  }
0x7a: {  	_ =	shalt  }
0x7b: {  	_ =	shalt  }
0x7c: {  	_ =	shalt  }
0x7d: {  	_ =	shalt  }
0x7e: {  	_ =	shalt  }
0x7f: {  	_ =	shalt  }
0x80: {  	_ =	shalt  }
0x81: {  	_ =	shalt  }
0x82: {  	_ =	shalt  }
0x83: {  	_ =	shalt  }
0x84: {  	_ =	shalt  }
0x85: {  	_ =	shalt  }
0x86: {  	_ =	shalt  }
0x87: {  	_ =	shalt  }
.Lfunc_end0:
.L_simem_size_0:
called_computation.1_lowered:
.L_overlay_start_0:
0x88: {  	s2 =	sld [smem:$0x3FD9]  }
0x89: {  	s3 =	sld [smem:$0x3FFE];
	_ =	sdelay $0x1  }
0x8a: {  	s1 =	srdreg.scid  }
0x8b: {  	s0 =	sand.u32 $0x1, s1  }
0x8c: {  	s16 =	sshll.u32 s0, $0xA;
	s2 =	sadd.s32 s3, s2  }
0x8d: {  	s2 =	sadd.s32 s2, s16  }
0x8e: {  	[smem:$0x3FBE] =	sst s2  }
0x8f: {  	_ = 	snop  }
0x90: {  	(tm) =	ssettm $0x1  }
0x91: {  	s17 =	sld [smem:$0x3FFB];
	_ =	sdelay $0x3  }
0x92: {  	_ =	strace s17  }
0x93: {  	s2 =	sld [smem:$0x3FFC];
	_ =	sdelay $0x3  }
0x94: {  	_ =	strace s2  }
0x95: {  	s2 =	sld [smem:$0x3FFD];
	_ =	sdelay $0x3  }
0x96: {  	_ =	strace s2  }
0x97: {  	_ =	strace $0x8FFFFFFF  }
0x98: {  	s18 =	sld [smem:$0x3FDB];
	_ =	sdelay $0x1  }
0x99: {  	s19 =	simm.s32 $_scs_section_size  }
0x9a: {  	s4 =	simm.s32 $_size__tile_overlayer_lowered;
	s5 =	simm.s32 $_tile_overlayer_lowered  }
0x9b: {  	s22 =	simm.s32 $0x1BFF;
	s21 =	sshll.u32 s5, $0x1;
	s2 =	sadd.s32 s19, s18  }
0x9c: {  	s6 =	simm.s32 $0x0;
	s20 =	sshll.u32 s4, $0x1;
	s4 =	sadd.s32 s21, s2  }
0x9d: {  	[timem:s6], [sflag:s22] =	dma.local [hbm:s4], s20  }
0x9e: {  	_ =	swait.ge [sflag:s22], s20  }
0x9f: {  	s3 =	ssub.s32 $0x0, s20;
	[sflag:s22] =	ssyncset.done $0x0  }
0xa0: {  	[sflag:s22] =	ssyncadd.s32 s3;
	_ =	sdelay $0x1  }
0xa1: {  	s23 =	simm.s32 $0x1B8B  }
0xa2: {  	_ =	swait.ge [sflag:s23], $0x1  }
0xa3: {  	[sflag:s23] =	ssyncset.done $0x0  }
0xa4: {  	s25 =	simm.s32 $0x1B8E;
	s24 =	sld [smem:$0x3FFE];
	[sflag:s23] =	ssyncadd.s32 $0xFFFFFFFF  }
0xa5: {  	s26 =	simm.s32 $execute0_lowered;
	[smem:$0x3FD2] =	sst s25  }
0xa6: {  	s4 =	sshll.u32 s26, $0x1;
	_ =	strace $0x80000046;
	[dreg:$0x1] =	wrdreg $0xFFFFFFFF  }
0xa7: {  	s28 =	simm.s32 $_size_execute0_lowered;
	s2 =	sadd.s32 s2, s4;
	[dreg:$0x0] =	wrdreg $0x0  }
0xa8: {  	s4 =	sshll.u32 s28, $0x1;
	[dreg:$0x2] =	wrdreg s2  }
0xa9: {  	[dreg:$0x3] =	wrdreg s4  }
0xaa: {  	[dreg:$0x4] =	wrdreg $0xC0  }
0xab: {  	_ =	task [dreg:s6], $0x5FFFF  }
0xac: {  	[dreg:$0x1] =	wrdreg $0xFFFFFFFF  }
0xad: {  	[dreg:$0x0] =	wrdreg $0x60  }
0xae: {  	[dreg:$0x2] =	wrdreg s24  }
0xaf: {  	[dreg:$0x3] =	wrdreg $0xA  }
0xb0: {  	_ =	task.clear_ibuf [dreg:s6], $0x4FFFF;
	_ =	strace $0x90000046  }
0xb1: {  	s29 =	simm.s32 $0xA;
	_ =	strace $0x80000048  }
0xb2: {  	_ =	swait.ge [sflag:s29], $0x1  }
0xb3: {  	[sflag:s29] =	ssyncadd.s32 $0xFFFFFFFF  }
0xb4: {  	_ =	strace $0x90000048  }
0xb5: {  	_ =	sfence  }
0xb6: {  	s30 =	sld [smem:$0x0];
	_ =	sdelay $0x2  }
0xb7: {  	s31 =	sshll.u32 s1, $0xD;
	s1 =	sshrl.u32 s1, $0x2  }
0xb8: {  	s3 =	sand.u32 $0x4000, s31;
	s1 =	sadd.s32 s1, s30  }
0xb9: {  	s0 =	sor.u32 s3, s0;
	s1 =	sshll.u32 s1, $0x11  }
0xba: {  	s0 =	sor.u32 s1, s0  }
0xbb: {  	s0 =	sadd.s32 $0x8F2B, s0  }
0xbc: {  	[sflag:s0] =	ssyncadd.remote.s32 $0x1  }
0xbd: {  	_ =	sfence.sel $0xFFFF  }
0xbe: {  	[dreg:$0x0] =	wrdreg $0xFFFFFFFF;
	(pc) =	sbr.abs _section_cstart, $3  }
0xbf: {  	[dreg:$0x1] =	wrdreg $0xFFFFFFFF  }
0xc0: {  	_ =	task.clear_ibuf [dreg:s6], $0x2FFFF;
	_ =	strace $0x9FFFFFFF  }
0xc1: {  	(tm) =	ssettm $0x7FFFFFFF  }
tec
execute0_lowered:
.L_overlay_start_1:
0x0: {  	(tag) =	ssettag $0x1  }
0x1: {  	s1 =	srdreg.scid;
	s0 =	stileid.u32  }
0x2: {  	s5 =	rddreg [dreg:$0x0];
	s2 =	simm.s32 $0x0;
	s10 =	simm.s32 $0xC480  }
0x3: {  	s11 =	simm.s32 $0xCC80;
	s12 =	simm.s32 $0xD480;
	s13 =	simm.s32 $0xDC80  }
0x4: {  	s14 =	simm.s32 $0x1;
	s4 =	sand.u32 $0x1, s1;
	s3 =	sshll.u32 s0, $0x1  }
0x5: {  	s16 =	simm.s32 $0x2;
	s1 =	rddreg [dreg:$0x1];
	s15 =	sor.u32 s4, s3  }
0x6: {  	s17 =	simm.s32 $0x0;
	[smem:$0x7FF] =	sst s2;
	s6 =	smul.u32 $0x9C4, s15  }
.Ltmp0:
0x7: {  	_ =	strace $0x80000047;
	s7 =	ssub.s32 $0x2, s4;
	(pc) =	sbr.rel .LBB2_1-.Ltmp0, $4  }
0x8: {  	s3 =	sadd.s32 $0x49600, s5;
	s4 =	sadd.s32 $0x3F800, s5;
	s31 =	sshrl.u32 s7, $0x1  }
0x9: {  	p0 =	sne.s32 s15, $0x0;
	s15 =	simm.s32 $0x4E80;
	s8 =	sadd.s32 s6, s5  }
0xa: {  	s9 =	ssub.s32 s7, s31;
	s5 =	sadd.s32 $0x53400, s5;
	s6 =	sadd.s32 $0x2BE00, s8  }
0xb: {  	v0 =	vimm.s32 $0xFF7FFF7F;
	v1 =	vimm.f32 $0.0e+00;
	s7 =	sadd.s32 $0x53A00, s8;
	s8 =	smax.u32 s9, $0x1;
	s9 =	simm.s32 $0x3  }
.LBB2_19:
0xc: {  	[hbm4b:s7+s2] =	stream.linear.scatter [tilespmem:s15], [sflag:$0x3], $0x4E20, $0x38;
	[tilespmem:$0xE480] =	vst v63  }
0xd: {  	_ =	swait.ge [sflag:s9], $0x4E20  }
0xe: {  	s18 =	simm.s32 @!p0 $0x0;
	s17 =	sadd.s32 $0x1, s17;
	[sflag:s9] =	ssyncset.done $0x0  }
0xf: {  	s19 =	simm.s32 @!p0 $0x9D00;
	p1 =	sne.s32 s17, s8;
	[sflag:s9] =	ssyncadd.s32 $0xFFFFB1E0  }
0x10: {  	[hbm4b:s5+s18] =	stream.linear.scatter @!p0 [tilespmem:s19], [sflag:$0x3], $0x2780, $0x38;
	[tilespmem:$0xE480] =	vst v63  }
.Ltmp1:
0x11: {  	_ = 	snop;
	(pc) =	sbr.rel @!p1 .LBB2_20-.Ltmp1, $4  }
0x12: {  	s18 =	simm.s32 @!p0 $0x3  }
0x13: {  	_ =	swait.ge @!p0 [sflag:s18], $0x2780  }
0x14: {  	[sflag:s18] =	ssyncset.done @!p0 $0x0  }
0x15: {  	[sflag:s18] =	ssyncadd.s32 @!p0 $0xFFFFD880  }
.LBB2_1:
0x16: {  	[tilespmem:s2], [sflag:$0x3] =	stream.linear.gather [hbm4b:s6+s2], $0x4E20, $0x38;
	[tilespmem:$0xE480] =	vst v63  }
0x17: {  	_ =	swait.ge [sflag:s9], $0x4E20  }
0x18: {  	[sflag:s9] =	ssyncset.done $0x0  }
0x19: {  	s18 =	simm.s32 $0x0;
	[sflag:s9] =	ssyncadd.s32 $0xFFFFB1E0  }
.LBB2_2:
0x1a: {  	p1 =	sne.s32 s18, $0x13840  }
.Ltmp2:
0x1b: {  	_ = 	snop;
	(pc) =	sbr.rel @p1 .LBB2_2-.Ltmp2, $3  }
0x1c: {  	_ =	sdelay $0x1  }
0x1d: {  	s19 =	sshra.s32 s18, $0x2  }
0x1e: {  	s18 =	sadd.s32 $0x40, s18;
	[tilespmem:s19+$0x4E80] =	vst v0  }
0x1f: {  	s18 =	simm.s32 $0x40;
	s19 =	simm.s32 $0x0  }
.LBB2_4:
0x20: {  	p1 =	sne.s32 s18, $0x9C00;
	[tilespmem:s19+$0x9D00] =	vst v1;
	s19 =	smov.u32 s18;
	s18 =	sadd.s32 $0x40, s18  }
.Ltmp3:
0x21: {  	(pc) =	sbr.rel @p1 .LBB2_4-.Ltmp3, $2  }
0x22: {  	_ =	sdelay $0x2  }
0x23: {  	s19 =	sshra.s32 s19, $0x2  }
.Ltmp4:
0x24: {  	(pc) =	sbr.rel .LBB2_6-.Ltmp4, $4  }
0x25: {  	[tilespmem:s19+$0x9D00] =	vst v1;
	s18 =	simm.s32 $0x0  }
0x26: {  	[tilespmem:s10], [sflag:$0x1] =	stream.linear.gather [hbm4b:s3+s18], $0x7D0, $0x38;
	[tilespmem:$0xE480] =	vst v63  }
0x27: {  	s19 =	simm.s32 $0x0  }
0x28: {  	[tilespmem:s11], [sflag:$0x1] =	stream.linear.gather [hbm4b:s4+s18], $0x7D0, $0x38;
	[tilespmem:$0xE480] =	vst v63  }
.LBB2_18:
0x29: {  	s19 =	sadd.s32 $0x1, s19  }
0x2a: {  	p1 =	sne.s32 s19, $0x50  }
.Ltmp5:
0x2b: {  	_ = 	snop;
	(pc) =	sbr.rel @!p1 .LBB2_19-.Ltmp5, $1  }
0x2c: {  	_ =	sdelay $0x3  }
.LBB2_6:
0x2d: {  	s20 =	smul.u32 $0xFA0, s19;
	_ =	sdelay $0x1  }
0x2e: {  	s21 =	sshrl.u32 s20, $0x3  }
0x2f: {  	s21 =	sadd.s32 $0xFA, s21  }
0x30: {  	s22 =	sadd.s32 s3, s21  }
0x31: {  	[tilespmem:s12], [sflag:$0x2] =	stream.linear.gather [hbm4b:s22+s18], $0x7D0, $0x38;
	[tilespmem:$0xE480] =	vst v63  }
0x32: {  	s21 =	sadd.s32 s4, s21  }
0x33: {  	[tilespmem:s13], [sflag:$0x2] =	stream.linear.gather [hbm4b:s21+s18], $0x7D0, $0x38;
	[tilespmem:$0xE480] =	vst v63  }
0x34: {  	_ =	swait.ge [sflag:s14], $0x7D0  }
.Ltmp6:
0x35: {  	[sflag:s14] =	ssyncset.done $0x0;
	(pc) =	sbr.rel .LBB2_7-.Ltmp6, $4  }
0x36: {  	[sflag:s14] =	ssyncadd.s32 $0xFFFFF830  }
0x37: {  	_ =	swait.ge [sflag:s14], $0x7D0  }
0x38: {  	[sflag:s14] =	ssyncset.done $0x0  }
0x39: {  	s21 =	simm.s32 $0x0;
	[sflag:s14] =	ssyncadd.s32 $0xFFFFF830  }
.LBB2_10:
0x3a: {  	_ =	sdelay $0x4  }
0x3b: {  	[tilespmem:v2+s24+$0x0] =	vst.idx.add.f32.msk @!p0 vm0, v7  }
.LBB2_11:
0x3c: {  	s21 =	sadd.s32 $0x1, s21  }
0x3d: {  	p1 =	sne.s32 s21, $0x7D  }
.Ltmp7:
0x3e: {  	_ = 	snop;
	(pc) =	sbr.rel @!p1 .LBB2_12-.Ltmp7, $1  }
0x3f: {  	_ =	sdelay $0x3  }
.LBB2_7:
0x40: {  	s22 =	sshll.u32 s21, $0x4  }
0x41: {  	v2 =	vld [tilespmem:s22+$0xCC80];
	_ =	sdelay $0x4  }
0x42: {  	(xrf1) =	vunique.msk.u32 $0xffff, v2;
	_ =	sdelay $0xd  }
0x43: {  	_, v3, _ =	vpop (xrf1)  }
0x44: {  	v4 =	vxor.u32 $0x80000000, v3  }
0x45: {  	(xrf0) =	vmin.scan.msk.u32 $0xffff, v4;
	_ =	sdelay $0x5  }
0x46: {  	v5, _, _ =	vpop (xrf0)  }
0x47: {  	(v2sf) =	vpush v5, $0xF;
	_ =	sdelay $0x2  }
0x48: {  	(xrf0) =	vmax.scan.msk.u32 $0xffff, v4;
	_ =	sdelay $0x5  }
0x49: {  	v5 =	vld [tilespmem:s22+$0xC480];
	v4, _, _ =	vpop (xrf0)  }
0x4a: {  	(v2sf) =	vpush v4, $0xF;
	_ =	sdelay $0x4  }
0x4b: {  	s22 =	spop (v2sf)  }
0x4c: {  	v7 =	vld.idx.msk [tilespmem:v2+s15+$0x0], $0xffff;
	s23 =	sxor.u32 $0x80000000, s22  }
0x4d: {  	v4 =	vld.idx.msk [tilespmem:v5+s2+$0x0], $0xffff;
	vm0 =	veq.s32 v3, s23  }
0x4e: {  	v6 =	vadd.s32 $0x2710, v5  }
0x4f: {  	v5 =	vadd.s32 $0x2710, v2;
	_ =	sdelay $0x2  }
0x50: {  	v7 =	vmax.bf16 v7, v4  }
0x51: {  	v6 =	vld.idx.msk [tilespmem:v6+s2+$0x0], $0xffff;
	[tilespmem:v2+s15+$0x0] =	vst.idx.msk vm0, v7  }
0x52: {  	v7 =	vmov s23;
	v8 =	vld.idx.msk [tilespmem:v5+s15+$0x0], $0xffff  }
0x53: {  	s31 =	spop (v2sf);
	vm1 =	veq.s32 @!p0 v3, v7  }
0x54: {  	p1 =	sle.u32 s31, s22  }
.Ltmp8:
0x55: {  	_ = 	snop;
	(pc) =	sbr.rel @p1 .LBB2_11-.Ltmp8, $4  }
0x56: {  	_ = 	snop  }
0x57: {  	v7 =	vmax.bf16 v8, v6  }
0x58: {  	s24 =	simm.s32 @!p0 $0x9D00;
	[tilespmem:v5+s15+$0x0] =	vst.idx.msk vm0, v7;
	v7 =	vimm.f32 @!p0 $1.000000000e+00  }
0x59: {  	[tilespmem:v2+s24+$0x0] =	vst.idx.add.f32.msk @!p0 vm1, v7  }
0x5a: {  	_ =	sdelay $0x1  }
0x5b: {  	s22 =	sadd.s32 $0x80000001, s22  }
0x5c: {  	s23 =	sadd.s32 $0x0, s22  }
0x5d: {  	v8 =	vld.idx.msk [tilespmem:v2+s15+$0x0], $0xffff;
	vm1 =	veq.s32 v3, s23;
	_ =	sdelay $0x4  }
0x5e: {  	v8 =	vmax.bf16 v8, v4  }
0x5f: {  	[tilespmem:v2+s15+$0x0] =	vst.idx.msk vm1, v8  }
0x60: {  	v9 =	vmov s23;
	v8 =	vld.idx.msk [tilespmem:v5+s15+$0x0], $0xffff  }
0x61: {  	vm0 =	veq.s32 @!p0 v3, v9;
	_ =	sdelay $0x3  }
0x62: {  	v8 =	vmax.bf16 v8, v6  }
0x63: {  	s23 =	simm.s32 $0x1;
	[tilespmem:v5+s15+$0x0] =	vst.idx.msk vm1, v8  }
.LBB2_9:
0x64: {  	[tilespmem:v2+s24+$0x0] =	vst.idx.add.f32.msk @!p0 vm0, v7;
	s24 =	smov.u32 s23;
	s23 =	sadd.s32 $0x1, s23  }
0x65: {  	s24 =	sadd.s32 s24, s22;
	v7 =	vld.idx.msk [tilespmem:v2+s15+$0x0], $0xffff;
	p1 =	sne.s32 s23, $0xF  }
0x66: {  	v8 =	vmov s24;
	vm1 =	veq.s32 v3, s24;
	_ =	sdelay $0x4  }
0x67: {  	v7 =	vmax.bf16 v7, v4  }
0x68: {  	[tilespmem:v2+s15+$0x0] =	vst.idx.msk vm1, v7  }
0x69: {  	v7 =	vld.idx.msk [tilespmem:v5+s15+$0x0], $0xffff;
	_ =	sdelay $0x1  }
0x6a: {  	vm0 =	veq.s32 @!p0 v3, v8  }
.Ltmp9:
0x6b: {  	(pc) =	sbr.rel @p1 .LBB2_9-.Ltmp9, $3  }
0x6c: {  	_ =	sdelay $0x1  }
0x6d: {  	v7 =	vmax.bf16 v7, v6  }
0x6e: {  	s24 =	simm.s32 @!p0 $0x9D00;
	[tilespmem:v5+s15+$0x0] =	vst.idx.msk vm1, v7;
	v7 =	vimm.f32 @!p0 $1.000000000e+00  }
.Ltmp10:
0x6f: {  	_ = 	snop;
	(pc) =	sbr.rel .LBB2_10-.Ltmp10, $1  }
0x70: {  	_ =	sdelay $0x3  }
.LBB2_12:
0x71: {  	p1 =	seq.s32 s19, $0x4F  }
0x72: {  	s20 =	sshrl.u32 @!p1 s20, $0x3  }
0x73: {  	s20 =	sadd.s32 @!p1 $0x1F4, s20  }
0x74: {  	s22 =	simm.s32 @!p1 $0x0;
	s23 =	simm.s32 @!p1 $0xC480;
	s21 =	sadd.s32 @!p1 s3, s20  }
0x75: {  	[tilespmem:s23], [sflag:$0x1] =	stream.linear.gather @!p1 [hbm4b:s21+s22], $0x7D0, $0x38;
	[tilespmem:$0xE480] =	vst v63  }
0x76: {  	s20 =	sadd.s32 @!p1 s4, s20;
	s21 =	simm.s32 @!p1 $0xCC80  }
0x77: {  	[tilespmem:s21], [sflag:$0x1] =	stream.linear.gather @!p1 [hbm4b:s20+s22], $0x7D0, $0x38;
	[tilespmem:$0xE480] =	vst v63  }
0x78: {  	_ =	swait.ge [sflag:s16], $0x7D0  }
.Ltmp11:
0x79: {  	[sflag:s16] =	ssyncset.done $0x0;
	(pc) =	sbr.rel .LBB2_13-.Ltmp11, $4  }
0x7a: {  	[sflag:s16] =	ssyncadd.s32 $0xFFFFF830  }
0x7b: {  	_ =	swait.ge [sflag:s16], $0x7D0  }
0x7c: {  	[sflag:s16] =	ssyncset.done $0x0  }
0x7d: {  	s20 =	simm.s32 $0x0;
	[sflag:s16] =	ssyncadd.s32 $0xFFFFF830  }
.LBB2_16:
0x7e: {  	_ =	sdelay $0x4  }
0x7f: {  	[tilespmem:v2+s23+$0x0] =	vst.idx.add.f32.msk @!p0 vm0, v7  }
.LBB2_17:
0x80: {  	s20 =	sadd.s32 $0x1, s20  }
0x81: {  	p1 =	sne.s32 s20, $0x7D  }
.Ltmp12:
0x82: {  	_ = 	snop;
	(pc) =	sbr.rel @!p1 .LBB2_18-.Ltmp12, $1  }
0x83: {  	_ =	sdelay $0x3  }
.LBB2_13:
0x84: {  	s21 =	sshll.u32 s20, $0x4  }
0x85: {  	v2 =	vld [tilespmem:s21+$0xDC80];
	_ =	sdelay $0x4  }
0x86: {  	(xrf1) =	vunique.msk.u32 $0xffff, v2;
	_ =	sdelay $0xd  }
0x87: {  	_, v3, _ =	vpop (xrf1)  }
0x88: {  	v4 =	vxor.u32 $0x80000000, v3  }
0x89: {  	(xrf0) =	vmin.scan.msk.u32 $0xffff, v4;
	_ =	sdelay $0x5  }
0x8a: {  	v5, _, _ =	vpop (xrf0)  }
0x8b: {  	(v2sf) =	vpush v5, $0xF;
	_ =	sdelay $0x2  }
0x8c: {  	(xrf0) =	vmax.scan.msk.u32 $0xffff, v4;
	_ =	sdelay $0x5  }
0x8d: {  	v5 =	vld [tilespmem:s21+$0xD480];
	v4, _, _ =	vpop (xrf0)  }
0x8e: {  	(v2sf) =	vpush v4, $0xF;
	_ =	sdelay $0x4  }
0x8f: {  	s21 =	spop (v2sf)  }
0x90: {  	v7 =	vld.idx.msk [tilespmem:v2+s15+$0x0], $0xffff;
	s22 =	sxor.u32 $0x80000000, s21  }
0x91: {  	v4 =	vld.idx.msk [tilespmem:v5+s2+$0x0], $0xffff;
	vm0 =	veq.s32 v3, s22  }
0x92: {  	v6 =	vadd.s32 $0x2710, v5  }
0x93: {  	v5 =	vadd.s32 $0x2710, v2;
	_ =	sdelay $0x2  }
0x94: {  	v7 =	vmax.bf16 v7, v4  }
0x95: {  	v6 =	vld.idx.msk [tilespmem:v6+s2+$0x0], $0xffff;
	[tilespmem:v2+s15+$0x0] =	vst.idx.msk vm0, v7  }
0x96: {  	v7 =	vmov s22;
	v8 =	vld.idx.msk [tilespmem:v5+s15+$0x0], $0xffff  }
0x97: {  	s31 =	spop (v2sf);
	vm1 =	veq.s32 @!p0 v3, v7  }
0x98: {  	p1 =	sle.u32 s31, s21  }
.Ltmp13:
0x99: {  	_ = 	snop;
	(pc) =	sbr.rel @p1 .LBB2_17-.Ltmp13, $4  }
0x9a: {  	_ = 	snop  }
0x9b: {  	v7 =	vmax.bf16 v8, v6  }
0x9c: {  	s23 =	simm.s32 @!p0 $0x9D00;
	[tilespmem:v5+s15+$0x0] =	vst.idx.msk vm0, v7;
	v7 =	vimm.f32 @!p0 $1.000000000e+00  }
0x9d: {  	[tilespmem:v2+s23+$0x0] =	vst.idx.add.f32.msk @!p0 vm1, v7  }
0x9e: {  	_ =	sdelay $0x1  }
0x9f: {  	s21 =	sadd.s32 $0x80000001, s21  }
0xa0: {  	s22 =	sadd.s32 $0x0, s21  }
0xa1: {  	v8 =	vld.idx.msk [tilespmem:v2+s15+$0x0], $0xffff;
	vm1 =	veq.s32 v3, s22;
	_ =	sdelay $0x4  }
0xa2: {  	v8 =	vmax.bf16 v8, v4  }
0xa3: {  	[tilespmem:v2+s15+$0x0] =	vst.idx.msk vm1, v8  }
0xa4: {  	v9 =	vmov s22;
	v8 =	vld.idx.msk [tilespmem:v5+s15+$0x0], $0xffff  }
0xa5: {  	vm0 =	veq.s32 @!p0 v3, v9;
	_ =	sdelay $0x3  }
0xa6: {  	v8 =	vmax.bf16 v8, v6  }
0xa7: {  	s22 =	simm.s32 $0x1;
	[tilespmem:v5+s15+$0x0] =	vst.idx.msk vm1, v8  }
.LBB2_15:
0xa8: {  	[tilespmem:v2+s23+$0x0] =	vst.idx.add.f32.msk @!p0 vm0, v7;
	s23 =	smov.u32 s22;
	s22 =	sadd.s32 $0x1, s22  }
0xa9: {  	s23 =	sadd.s32 s23, s21;
	v7 =	vld.idx.msk [tilespmem:v2+s15+$0x0], $0xffff;
	p1 =	sne.s32 s22, $0xF  }
0xaa: {  	v8 =	vmov s23;
	vm1 =	veq.s32 v3, s23;
	_ =	sdelay $0x4  }
0xab: {  	v7 =	vmax.bf16 v7, v4  }
0xac: {  	[tilespmem:v2+s15+$0x0] =	vst.idx.msk vm1, v7  }
0xad: {  	v7 =	vld.idx.msk [tilespmem:v5+s15+$0x0], $0xffff;
	_ =	sdelay $0x1  }
0xae: {  	vm0 =	veq.s32 @!p0 v3, v8  }
.Ltmp14:
0xaf: {  	(pc) =	sbr.rel @p1 .LBB2_15-.Ltmp14, $3  }
0xb0: {  	_ =	sdelay $0x1  }
0xb1: {  	v7 =	vmax.bf16 v7, v6  }
0xb2: {  	s23 =	simm.s32 @!p0 $0x9D00;
	[tilespmem:v5+s15+$0x0] =	vst.idx.msk vm1, v7;
	v7 =	vimm.f32 @!p0 $1.000000000e+00  }
.Ltmp15:
0xb3: {  	_ = 	snop;
	(pc) =	sbr.rel .LBB2_16-.Ltmp15, $1  }
0xb4: {  	_ =	sdelay $0x3  }
.LBB2_20:
0xb5: {  	_ =	sfence.sel $0x180000  }
0xb6: {  	[bflag:$0x0] =	sbarrier.arrive $0xFFFF  }
0xb7: {  	p0 =	sne.s32 s0, $0x0;
	_ =	strace $0x90000047  }
0xb8: {  	s0 =	sadd.s32 @!p0 $0x100000, s1;
	[bflag:$0x2] =	sbarrier.arrive $0xFFFF  }
0xb9: {  	[sflag:s0] =	ssyncadd.tile.s32 @!p0 $0x1;
	_ =	shalt  }
.Lfunc_end2:
_tile_overlayer_lowered:
.L_overlay_start_2:
0xba: {  	(tag) =	ssettag $0x2  }
0xbb: {  	s0 =	rddreg [dreg:$0x0];
	s2 =	stileid.u32  }
0xbc: {  	s1 =	rddreg [dreg:$0x1];
	p0 =	sne.s32 s2, $0x0  }
0xbd: {  	s3 =	rddreg [dreg:$0x2];
	[bflag:$0x3] =	sbarrier.arrive $0xFFFF;
	s2 =	simm.s32 @!p0 $0x1C03  }
0xbe: {  	[timem:s3], [sflag:s2] =	dma.local @!p0 [hbm:s0], s1  }
0xbf: {  	s0 =	simm.s32 @!p0 $0x3  }
0xc0: {  	_ =	swait.ge @!p0 [sflag:s0], s1  }
0xc1: {  	s1 =	ssub.s32 @!p0 $0x0, s1;
	[sflag:s0] =	ssyncset.done @!p0 $0x0  }
0xc2: {  	[sflag:s0] =	ssyncadd.s32 @!p0 s1  }
0xc3: {  	[bflag:$0x3] =	sbarrier.arrive $0xFFFF  }
0xc4: {  	_ =	shalt  }

// kernel: kernel.9.cloned.1.call-start
scs
__scs_entry_jumppad:
0x0: {  	(pc) =	sbr.rel $0x88, $3  }
0x1: {  	(tag) =	ssettag $0x0;
	lr =	simm.s32 $0x1  }
0x2: {  	[smem:$0x3F97] =	sst lr;
	_ =	strace $0xD0000000  }
0x3: {  	_ = 	snop  }
0x4: {  	_ = 	snop  }
0x5: {  	_ = 	snop  }
0x6: {  	_ = 	snop  }
0x7: {  	_ = 	snop  }
__scs_overlays_trampoline_lowered:
0x8: {  	[smem:$0x3FA6] =	sst s0  }
0x9: {  	[smem:$0x3FA7] =	sst s1  }
0xa: {  	[smem:$0x3FA8] =	sst s2  }
0xb: {  	[smem:$0x3FA9] =	sst s3  }
0xc: {  	[smem:$0x3FAA] =	sst s4  }
0xd: {  	[smem:$0x3FAB] =	sst s5  }
0xe: {  	[smem:$0x3FAC] =	sst s6  }
0xf: {  	[smem:$0x3FAD] =	sst s7  }
0x10: {  	[smem:$0x3FAE] =	sst s8  }
0x11: {  	[smem:$0x3FAF] =	sst s9;
	s0 =	simm.s32 @!p0 $0x0  }
0x12: {  	s1 =	sld [smem:$0x3F95];
	s0 =	simm.s32 @p0 $0x1  }
0x13: {  	[smem:$0x3FB0] =	sst s0;
	s0 =	simm.s32 @!p1 $0x0  }
0x14: {  	s2 =	sld [smem:$0x3F94];
	s0 =	simm.s32 @p1 $0x1  }
0x15: {  	[smem:$0x3FB1] =	sst s0;
	s0 =	simm.s32 @!p2 $0x0  }
0x16: {  	s3 =	sld [smem:$0x3FDB];
	s0 =	simm.s32 @p2 $0x1  }
0x17: {  	s4 =	simm.s32 $0x1BF5;
	[smem:$0x3FB3] =	sst s0  }
0x18: {  	s0 =	sld [smem:$0x3F96];
	_ =	swait.ge [sflag:s4], $0x0  }
0x19: {  	s7 =	sld [smem:$0x3F97]  }
0x1a: {  	s8 =	sadd.s32 $0xFFFFE003, lr  }
0x1b: {  	s9 =	sadd.s32 $0xFFFFFEF7, lr;
	s5 =	simm.s32 $0xFFFFFFFF;
	p2 =	slt.u32 s8, $0xFFFFF086  }
0x1c: {  	p1 =	slt.u32 s9, $0xF7A;
	s5 =	simm.s32 @!p2 $0x0  }
0x1d: {  	s5 =	simm.s32 @p1 $0x1;
	p0 =	seq.s32 s7, s2  }
0x1e: {  	s7 =	smul.u32 @!p0 $0xF7A, s2;
	p2 =	seq.s32 @!p0 s5, $0x0  }
0x1f: {  	s9 =	smul.u32 $0xF7A, s1;
	s8 =	simm.s32 @!p0 $0x1BF5;
	p2 =	por !p2, p0  }
0x20: {  	[sflag:s8] =	ssyncset.s32 @!p0 $0xFFFFF086;
	s6 =	sadd.s32 @!p0 s3, s7;
	s7 =	simm.s32 @!p0 $0x108  }
0x21: {  	s3 =	sadd.s32 s3, s9;
	s6 =	sadd.s32 @!p0 $0x88, s6;
	s7 =	simm.s32 @p2 $0x1082  }
0x22: {  	[simem:s7], [sflag:s8] =	dma.local @!p0 [hbm:s6], $0xF7A  }
0x23: {  	s9 =	sor.u32 $0xD0000000, s2;
	s6 =	simm.s32 $0x108;
	_ =	swait.ge @!p0 [sflag:s8], $0x0  }
0x24: {  	s3 =	sadd.s32 $0x88, s3;
	s6 =	simm.s32 @!p1 $0x1082;
	[sflag:s4] =	ssyncset.s32 $0xFFFFF086  }
0x25: {  	[simem:s6], [sflag:s4] =	dma.local [hbm:s3], $0xF7A  }
0x26: {  	[smem:$0x3F97] =	sst s1;
	(tag) =	ssettag s2;
	_ =	strace s9  }
0x27: {  	s1 =	sld [smem:$0x3FA7]  }
0x28: {  	s2 =	sld [smem:$0x3FA8]  }
0x29: {  	s4 =	sld [smem:$0x3FAA]  }
0x2a: {  	p0 =	seq.s32 s5, $0x0;
	s5 =	sld [smem:$0x3FAB]  }
0x2b: {  	s6 =	sld [smem:$0x3FAC]  }
0x2c: {  	s7 =	sld [smem:$0x3FAD]  }
0x2d: {  	s3 =	simm.s32 $0x108;
	s8 =	sld [smem:$0x3FAE]  }
0x2e: {  	s3 =	simm.s32 @!p0 $0x1082;
	s9 =	sld [smem:$0x3FAF]  }
0x2f: {  	lr =	sadd.s32 s0, s3;
	s0 =	sld [smem:$0x3FA6]  }
0x30: {  	s3 =	sld [smem:$0x3FA9]  }
0x31: {  	[smem:$0x3FB2] =	sst s10  }
0x32: {  	s10 =	sld [smem:$0x3FB0];
	_ =	sdelay $0x3  }
0x33: {  	p0 =	seq.s32 s10, $0x1;
	s10 =	sld [smem:$0x3FB2];
	_ =	sdelay $0x3  }
0x34: {  	[smem:$0x3FB2] =	sst s10  }
0x35: {  	s10 =	sld [smem:$0x3FB1];
	_ =	sdelay $0x3  }
0x36: {  	p1 =	seq.s32 s10, $0x1;
	s10 =	sld [smem:$0x3FB2];
	_ =	sdelay $0x3  }
0x37: {  	[smem:$0x3FB2] =	sst s10  }
0x38: {  	s10 =	sld [smem:$0x3FB3]  }
0x39: {  	_ = 	snop;
	(pc) =	sbr.ind lr, $3  }
0x3a: {  	_ = 	snop  }
0x3b: {  	_ = 	snop  }
0x3c: {  	p2 =	seq.s32 s10, $0x1;
	s10 =	sld [smem:$0x3FB2]  }
0x3d: {  	_ =	shalt  }
0x3e: {  	_ =	shalt  }
0x3f: {  	_ =	shalt  }
0x40: {  	_ =	shalt  }
0x41: {  	_ =	shalt  }
0x42: {  	_ =	shalt  }
0x43: {  	_ =	shalt  }
0x44: {  	_ =	shalt  }
0x45: {  	_ =	shalt  }
0x46: {  	_ =	shalt  }
0x47: {  	_ =	shalt  }
0x48: {  	_ =	shalt  }
0x49: {  	_ =	shalt  }
0x4a: {  	_ =	shalt  }
0x4b: {  	_ =	shalt  }
0x4c: {  	_ =	shalt  }
0x4d: {  	_ =	shalt  }
0x4e: {  	_ =	shalt  }
0x4f: {  	_ =	shalt  }
0x50: {  	_ =	shalt  }
0x51: {  	_ =	shalt  }
0x52: {  	_ =	shalt  }
0x53: {  	_ =	shalt  }
0x54: {  	_ =	shalt  }
0x55: {  	_ =	shalt  }
0x56: {  	_ =	shalt  }
0x57: {  	_ =	shalt  }
0x58: {  	_ =	shalt  }
0x59: {  	_ =	shalt  }
0x5a: {  	_ =	shalt  }
0x5b: {  	_ =	shalt  }
0x5c: {  	_ =	shalt  }
0x5d: {  	_ =	shalt  }
0x5e: {  	_ =	shalt  }
0x5f: {  	_ =	shalt  }
0x60: {  	_ =	shalt  }
0x61: {  	_ =	shalt  }
0x62: {  	_ =	shalt  }
0x63: {  	_ =	shalt  }
0x64: {  	_ =	shalt  }
0x65: {  	_ =	shalt  }
0x66: {  	_ =	shalt  }
0x67: {  	_ =	shalt  }
0x68: {  	_ =	shalt  }
0x69: {  	_ =	shalt  }
0x6a: {  	_ =	shalt  }
0x6b: {  	_ =	shalt  }
0x6c: {  	_ =	shalt  }
0x6d: {  	_ =	shalt  }
0x6e: {  	_ =	shalt  }
0x6f: {  	_ =	shalt  }
0x70: {  	_ =	shalt  }
0x71: {  	_ =	shalt  }
0x72: {  	_ =	shalt  }
0x73: {  	_ =	shalt  }
0x74: {  	_ =	shalt  }
0x75: {  	_ =	shalt  }
0x76: {  	_ =	shalt  }
0x77: {  	_ =	shalt  }
0x78: {  	_ =	shalt  }
0x79: {  	_ =	shalt  }
0x7a: {  	_ =	shalt  }
0x7b: {  	_ =	shalt  }
0x7c: {  	_ =	shalt  }
0x7d: {  	_ =	shalt  }
0x7e: {  	_ =	shalt  }
0x7f: {  	_ =	shalt  }
0x80: {  	_ =	shalt  }
0x81: {  	_ =	shalt  }
0x82: {  	_ =	shalt  }
0x83: {  	_ =	shalt  }
0x84: {  	_ =	shalt  }
0x85: {  	_ =	shalt  }
0x86: {  	_ =	shalt  }
0x87: {  	_ =	shalt  }
.Lfunc_end0:
.L_simem_size_0:
called_computation_lowered:
.L_overlay_start_0:
0x88: {  	s2 =	sld [smem:$0x3FD9]  }
0x89: {  	s3 =	sld [smem:$0x3FFE];
	_ =	sdelay $0x1  }
0x8a: {  	s1 =	srdreg.scid  }
0x8b: {  	s0 =	sand.u32 $0x1, s1  }
0x8c: {  	s17 =	sshll.u32 s0, $0xA;
	s2 =	sadd.s32 s3, s2  }
0x8d: {  	s2 =	sadd.s32 s2, s17  }
0x8e: {  	[smem:$0x3FBE] =	sst s2  }
0x8f: {  	_ = 	snop  }
0x90: {  	s18 =	sld [smem:$0x3FD0];
	(tm) =	ssettm $0x1  }
0x91: {  	s19 =	sld [smem:$0x3FFB];
	_ =	sdelay $0x3  }
0x92: {  	_ =	strace s19  }
0x93: {  	s2 =	sld [smem:$0x3FFC];
	_ =	sdelay $0x3  }
0x94: {  	_ =	strace s2  }
0x95: {  	s2 =	sld [smem:$0x3FFD];
	_ =	sdelay $0x3  }
0x96: {  	_ =	strace s2  }
0x97: {  	_ =	strace $0x8FFFFFFF  }
0x98: {  	s20 =	sld [smem:$0x3FDB];
	_ =	sdelay $0x1  }
0x99: {  	s4 =	simm.s32 $_scs_section_size  }
0x9a: {  	s5 =	simm.s32 $_size__tile_overlayer_lowered;
	s6 =	simm.s32 $_tile_overlayer_lowered  }
0x9b: {  	s7 =	simm.s32 $0x1BFF;
	s21 =	sshll.u32 s6, $0x1;
	s4 =	sadd.s32 s4, s20  }
0x9c: {  	s22 =	simm.s32 $0x0;
	s5 =	sshll.u32 s5, $0x1;
	s6 =	sadd.s32 s21, s4  }
0x9d: {  	[timem:s22], [sflag:s7] =	dma.local [hbm:s6], s5  }
0x9e: {  	_ =	swait.ge [sflag:s7], s5  }
0x9f: {  	s5 =	ssub.s32 $0x0, s5;
	[sflag:s7] =	ssyncset.done $0x0  }
0xa0: {  	[sflag:s7] =	ssyncadd.s32 s5;
	_ =	sdelay $0x1  }
0xa1: {  	s23 =	simm.s32 $0x1B8B  }
0xa2: {  	_ =	swait.ge [sflag:s23], $0x1  }
0xa3: {  	[sflag:s23] =	ssyncset.done $0x0  }
0xa4: {  	[sflag:s23] =	ssyncadd.s32 $0xFFFFFFFF  }
0xa5: {  	s5 =	sld [smem:$0x0]  }
0xa6: {  	s6 =	sand.u32 $0xFFFFFFFE, s1  }
0xa7: {  	p0 =	sne.s32 s1, s6  }
0xa8: {  	s6 =	sshll.u32 @p0 s6, $0xE  }
0xa9: {  	s6 =	sadd.s32 @p0 $0x11B8D, s6;
	s7 =	sshll.u32 @p0 s5, $0x11  }
0xaa: {  	s6 =	sor.u32 @p0 s7, s6  }
0xab: {  	[sflag:s6] =	ssyncadd.remote.s32 @p0 $0x1;
	_ =	sdelay $0x1  }
0xac: {  	s6 =	simm.s32 @p0 $0x1B8D  }
0xad: {  	_ =	swait.eq @p0 [sflag:s6], $0x1  }
0xae: {  	[sflag:s6] =	ssyncadd.s32 @p0 $0xFFFFFFFF  }
0xaf: {  	s7 =	sshll.u32 @!p0 s1, $0xE  }
0xb0: {  	s7 =	sor.u32 @!p0 $0x4000, s7;
	s6 =	simm.s32 @!p0 $0x1B8D  }
0xb1: {  	s5 =	sshll.u32 @!p0 s5, $0x11;
	s7 =	sadd.s32 @!p0 $0x11B8D, s7;
	_ =	swait.eq @!p0 [sflag:s6], $0x1  }
0xb2: {  	s5 =	sor.u32 @!p0 s5, s7;
	[sflag:s6] =	ssyncadd.s32 @!p0 $0xFFFFFFFF  }
0xb3: {  	s25 =	simm.s32 $0x1B8E;
	s24 =	sld [smem:$0x3FFE];
	[sflag:s5] =	ssyncadd.remote.s32 @!p0 $0x1  }
0xb4: {  	s26 =	simm.s32 $execute0_lowered;
	[smem:$0x3FD2] =	sst s25  }
0xb5: {  	s6 =	sshll.u32 s26, $0x1;
	_ =	strace $0x80000049;
	[dreg:$0x1] =	wrdreg $0xFFFFFFFF  }
0xb6: {  	s28 =	simm.s32 $_size_execute0_lowered;
	s4 =	sadd.s32 s4, s6;
	[dreg:$0x0] =	wrdreg $0x0  }
0xb7: {  	s6 =	sshll.u32 s28, $0x1;
	[dreg:$0x2] =	wrdreg s4  }
0xb8: {  	[dreg:$0x3] =	wrdreg s6  }
0xb9: {  	[dreg:$0x4] =	wrdreg $0xC0  }
0xba: {  	_ =	task [dreg:s22], $0x5FFFF  }
0xbb: {  	[dreg:$0x1] =	wrdreg $0xFFFFFFFF  }
0xbc: {  	[dreg:$0x0] =	wrdreg $0x60  }
0xbd: {  	[dreg:$0x2] =	wrdreg s18  }
0xbe: {  	[dreg:$0x3] =	wrdreg s24  }
0xbf: {  	[dreg:$0x4] =	wrdreg $0x29000  }
0xc0: {  	[dreg:$0x5] =	wrdreg $0x9  }
0xc1: {  	_ =	task.clear_ibuf [dreg:s22], $0x6FFFF;
	_ =	strace $0x90000049  }
0xc2: {  	s29 =	simm.s32 $0x9;
	_ =	strace $0x8000004B  }
0xc3: {  	_ =	swait.ge [sflag:s29], $0x1  }
0xc4: {  	[sflag:s29] =	ssyncadd.s32 $0xFFFFFFFF  }
0xc5: {  	_ =	strace $0x9000004B  }
0xc6: {  	_ =	sfence  }
0xc7: {  	s30 =	sld [smem:$0x0];
	_ =	sdelay $0x2  }
0xc8: {  	s31 =	sshll.u32 s1, $0xD;
	s1 =	sshrl.u32 s1, $0x2  }
0xc9: {  	s4 =	sand.u32 $0x4000, s31;
	s1 =	sadd.s32 s1, s30  }
0xca: {  	s0 =	sor.u32 s4, s0;
	s1 =	sshll.u32 s1, $0x11  }
0xcb: {  	s0 =	sor.u32 s1, s0  }
0xcc: {  	s0 =	sadd.s32 $0x8F2B, s0  }
0xcd: {  	[sflag:s0] =	ssyncadd.remote.s32 $0x1  }
0xce: {  	_ =	sfence.sel $0xFFFF  }
0xcf: {  	[dreg:$0x0] =	wrdreg $0xFFFFFFFF;
	(pc) =	sbr.abs _section_cstart, $3  }
0xd0: {  	[dreg:$0x1] =	wrdreg $0xFFFFFFFF  }
0xd1: {  	_ =	task.clear_ibuf [dreg:s22], $0x2FFFF;
	_ =	strace $0x9FFFFFFF  }
0xd2: {  	(tm) =	ssettm $0x7FFFFFFF  }
0xd3: {  	_ =	shalt  }
tec
execute0_lowered:
.L_overlay_start_1:
0x0: {  	(tag) =	ssettag $0x1  }
0x1: {  	s0 =	rddreg [dreg:$0x0]  }
0x2: {  	s1 =	srdreg.scid;
	s6 =	rddreg [dreg:$0x1]  }
0x3: {  	s12 =	stileid.u32;
	s2 =	rddreg [dreg:$0x2];
	s3 =	simm.s32 $0x0  }
0x4: {  	s16 =	simm.s32 $0x50;
	s17 =	simm.s32 $0x100;
	s5 =	smul.u32 $0x4E20, s12  }
0x5: {  	s4 =	sand.u32 $0x1, s1;
	s1 =	rddreg [dreg:$0x3];
	s26 =	smul.u32 $0x13800, s12  }
0x6: {  	s18 =	simm.s32 $0x0;
	[smem:$0x7FF] =	sst s3;
	s8 =	smul.u32 $0x4E000, s12  }
0x7: {  	s9 =	sadd.s32 $0x8E600, s6;
	s30 =	sshll.u32 s12, $0x6;
	s15 =	sadd.s32 $0x138000, s2  }
0x8: {  	p0 =	sne.s32 s12, $0x0;
	s7 =	smul.u32 $0x2710, s4;
	_ =	strace $0x8000004A  }
0x9: {  	s10 =	ssub.s32 $0x2, s4;
	s14 =	smul.u32 $0x138800, s4;
	s28 =	sshrl.u32 s26, $0x3  }
0xa: {  	s13 =	sshrl.u32 s10, $0x1;
	s8 =	sshrl.u32 s8, $0x2;
	s5 =	sadd.s32 s7, s5  }
0xb: {  	s10 =	ssub.s32 s10, s13;
	s29 =	sadd.s32 s8, s2;
	s7 =	sadd.s32 s26, s14  }
0xc: {  	s31 =	sshrl.u32 s14, $0x3;
	s13 =	simm.s32 $0x1;
	s14 =	sshrl.u32 @!p0 s15, $0x3  }
0xd: {  	s15 =	simm.s32 $0x80;
	s5 =	sshrl.u32 s5, $0x3;
	s7 =	sshrl.u32 s7, $0x3  }
0xe: {  	s8 =	sadd.s32 s9, s31;
	s12 =	sshrl.u32 s29, $0x3;
	s11 =	sadd.s32 s5, s6  }
0xf: {  	s5 =	sadd.s32 s28, s6;
	s6 =	sadd.s32 $0x8E400, s6;
	s7 =	sadd.s32 s9, s7  }
0x10: {  	s8 =	sadd.s32 $0x27000, s8;
	s9 =	smax.u32 s10, $0x1;
	s4 =	sadd.s32 $0x67400, s5  }
0x11: {  	s5 =	sor.u32 $0x1C01, s30;
	s10 =	sadd.s32 $0x3F800, s11;
	s11 =	sadd.s32 $0x49600, s11  }
.LBB2_1:
0x12: {  	[spmem:s12], [sflag:s5] =	dma.local [hbm:s4], $0x2700  }
0x13: {  	_ =	swait.ge [sflag:s13], $0x2700  }
0x14: {  	[sflag:s13] =	ssyncset.done $0x0  }
0x15: {  	s19 =	simm.s32 @!p0 $0x1;
	[sflag:s13] =	ssyncadd.s32 $0xFFFFD900  }
0x16: {  	[spmem:s14], [sflag:s5] =	dma.local @!p0 [hbm:s6], $0x100  }
0x17: {  	_ =	swait.ge @!p0 [sflag:s19], $0x100  }
0x18: {  	[sflag:s19] =	ssyncset.done @!p0 $0x0  }
0x19: {  	[sflag:s19] =	ssyncadd.s32 @!p0 $0xFFFFFF00  }
0x1a: {  	s30 =	sadd.s32 $0x0, s11;
	[bflag:$0x0] =	sbarrier.arrive $0xFFFF  }
0x1b: {  	[tilespmem:s3], [sflag:$0x1] =	stream.linear.gather [hbm4b:s30+s3], $0x50, $0x38;
	[tilespmem:$0x16180] =	vst v63  }
0x1c: {  	_ =	swait.ge [sflag:s13], $0x50  }
0x1d: {  	[sflag:s13] =	ssyncset.done $0x0  }
0x1e: {  	s31 =	sadd.s32 $0x0, s10;
	[sflag:s13] =	ssyncadd.s32 $0xFFFFFFB0  }
0x1f: {  	[tilespmem:s15], [sflag:$0x1] =	stream.linear.gather [hbm4b:s31+s3], $0x50, $0x38;
	[tilespmem:$0x16180] =	vst v63  }
0x20: {  	_ =	swait.ge [sflag:s13], $0x50  }
0x21: {  	[sflag:s13] =	ssyncset.done $0x0  }
0x22: {  	[sflag:s13] =	ssyncadd.s32 $0xFFFFFFB0  }
0x23: {  	[tilespmem:s17], [sflag:$0x1] =	stream.indirect.gather [hbm4b:s0+s16], $0x80, s3, s16, $0xb8;
	[tilespmem:$0x16180] =	vst v63  }
0x24: {  	_ =	swait.ge [sflag:s13], $0x2800  }
0x25: {  	[sflag:s13] =	ssyncset.done $0x0  }
0x26: {  	[sflag:s13] =	ssyncadd.s32 $0xFFFFD800  }
0x27: {  	[spmem:s2] =	stream.indirect.scatter.add.f32 [tilespmem:s17], [sflag:$0x1], $0x80, s15, s16, $0xb8;
	[tilespmem:$0x16180] =	vst v63  }
0x28: {  	_ =	swait.ge [sflag:s13], $0x2800  }
0x29: {  	s20 =	simm.s32 $0x14;
	s19 =	simm.s32 $0xA;
	[sflag:s13] =	ssyncset.done $0x0  }
.LBB2_2:
0x2a: {  	s21 =	sadd.s32 s19, s11  }
0x2b: {  	[sflag:s13] =	ssyncadd.s32 $0xFFFFD800;
	s22 =	smov.u32 s20;
	s23 =	sadd.s32 $0xA, s20  }
0x2c: {  	[tilespmem:s3], [sflag:$0x1] =	stream.linear.gather [hbm4b:s21+s3], $0x50, $0x38;
	[tilespmem:$0x16180] =	vst v63  }
0x2d: {  	p1 =	sne.s32 s20, $0x4D8;
	_ =	swait.ge [sflag:s13], $0x50  }
0x2e: {  	[sflag:s13] =	ssyncset.done $0x0  }
0x2f: {  	s20 =	sadd.s32 s19, s10;
	s19 =	smov.u32 s22;
	[sflag:s13] =	ssyncadd.s32 $0xFFFFFFB0  }
0x30: {  	[tilespmem:s15], [sflag:$0x1] =	stream.linear.gather [hbm4b:s20+s3], $0x50, $0x38;
	[tilespmem:$0x16180] =	vst v63  }
0x31: {  	_ =	swait.ge [sflag:s13], $0x50  }
0x32: {  	[sflag:s13] =	ssyncset.done $0x0  }
0x33: {  	[sflag:s13] =	ssyncadd.s32 $0xFFFFFFB0  }
0x34: {  	[tilespmem:s17], [sflag:$0x1] =	stream.indirect.gather [hbm4b:s0+s16], $0x80, s3, s16, $0xb8;
	[tilespmem:$0x16180] =	vst v63  }
0x35: {  	_ =	swait.ge [sflag:s13], $0x2800  }
.Ltmp0:
0x36: {  	[sflag:s13] =	ssyncset.done $0x0;
	(pc) =	sbr.rel @p1 .LBB2_2-.Ltmp0, $4  }
0x37: {  	[sflag:s13] =	ssyncadd.s32 $0xFFFFD800  }
0x38: {  	[spmem:s2] =	stream.indirect.scatter.add.f32 [tilespmem:s17], [sflag:$0x1], $0x80, s15, s16, $0xb8;
	[tilespmem:$0x16180] =	vst v63  }
0x39: {  	_ =	swait.ge [sflag:s13], $0x2800  }
0x3a: {  	s20 =	smov.u32 s23;
	[sflag:s13] =	ssyncset.done $0x0  }
0x3b: {  	s20 =	sadd.s32 s19, s11;
	[sflag:s13] =	ssyncadd.s32 $0xFFFFD800  }
0x3c: {  	[tilespmem:s3], [sflag:$0x1] =	stream.linear.gather [hbm4b:s20+s3], $0x50, $0x38;
	[tilespmem:$0x16180] =	vst v63  }
0x3d: {  	_ =	swait.ge [sflag:s13], $0x50  }
0x3e: {  	[sflag:s13] =	ssyncset.done $0x0  }
0x3f: {  	s31 =	sadd.s32 s19, s10;
	[sflag:s13] =	ssyncadd.s32 $0xFFFFFFB0  }
0x40: {  	[tilespmem:s15], [sflag:$0x1] =	stream.linear.gather [hbm4b:s31+s3], $0x50, $0x38;
	[tilespmem:$0x16180] =	vst v63  }
0x41: {  	_ =	swait.ge [sflag:s13], $0x50  }
0x42: {  	[sflag:s13] =	ssyncset.done $0x0  }
0x43: {  	[sflag:s13] =	ssyncadd.s32 $0xFFFFFFB0  }
0x44: {  	[tilespmem:s17], [sflag:$0x1] =	stream.indirect.gather [hbm4b:s0+s16], $0x80, s3, s16, $0xb8;
	[tilespmem:$0x16180] =	vst v63  }
0x45: {  	_ =	swait.ge [sflag:s13], $0x2800  }
0x46: {  	[sflag:s13] =	ssyncset.done $0x0  }
0x47: {  	[sflag:s13] =	ssyncadd.s32 $0xFFFFD800  }
0x48: {  	[spmem:s2] =	stream.indirect.scatter.add.f32 [tilespmem:s17], [sflag:$0x1], $0x80, s15, s16, $0xb8;
	[tilespmem:$0x16180] =	vst v63  }
0x49: {  	_ =	swait.ge [sflag:s13], $0x2800  }
0x4a: {  	[sflag:s13] =	ssyncset.done $0x0  }
0x4b: {  	[sflag:s13] =	ssyncadd.s32 $0xFFFFD800  }
0x4c: {  	[bflag:$0x0] =	sbarrier.arrive $0xFFFF  }
0x4d: {  	[hbm:s7], [sflag:s5] =	dma.local [spmem:s12], $0x2700  }
0x4e: {  	s18 =	sadd.s32 $0x1, s18;
	_ =	swait.ge [sflag:s13], $0x2700  }
0x4f: {  	p1 =	sne.s32 s18, s9;
	[sflag:s13] =	ssyncset.done $0x0  }
.Ltmp1:
0x50: {  	s19 =	simm.s32 @!p0 $0x1;
	[sflag:s13] =	ssyncadd.s32 $0xFFFFD900;
	(pc) =	sbr.rel @p1 .LBB2_1-.Ltmp1, $4  }
0x51: {  	[hbm:s8], [sflag:s5] =	dma.local @!p0 [spmem:s14], $0x100  }
0x52: {  	_ =	swait.ge @!p0 [sflag:s19], $0x100  }
0x53: {  	[sflag:s19] =	ssyncset.done @!p0 $0x0  }
0x54: {  	[sflag:s19] =	ssyncadd.s32 @!p0 $0xFFFFFF00  }
0x55: {  	_ =	sfence.sel $0x180000  }
0x56: {  	[bflag:$0x0] =	sbarrier.arrive $0xFFFF  }
0x57: {  	_ =	strace $0x9000004A  }
0x58: {  	s0 =	sadd.s32 @!p0 $0x100000, s1;
	[bflag:$0x2] =	sbarrier.arrive $0xFFFF  }
0x59: {  	[sflag:s0] =	ssyncadd.tile.s32 @!p0 $0x1;
	_ =	shalt  }
.Lfunc_end2:
_tile_overlayer_lowered:
.L_overlay_start_2:
0x5a: {  	(tag) =	ssettag $0x2  }
0x5b: {  	s0 =	rddreg [dreg:$0x0];
	s2 =	stileid.u32  }
0x5c: {  	s1 =	rddreg [dreg:$0x1];
	p0 =	sne.s32 s2, $0x0  }
0x5d: {  	s3 =	rddreg [dreg:$0x2];
	[bflag:$0x3] =	sbarrier.arrive $0xFFFF;
	s2 =	simm.s32 @!p0 $0x1C01  }
0x5e: {  	[timem:s3], [sflag:s2] =	dma.local @!p0 [hbm:s0], s1  }
0x5f: {  	s0 =	simm.s32 @!p0 $0x1  }
0x60: {  	_ =	swait.ge @!p0 [sflag:s0], s1  }
0x61: {  	s1 =	ssub.s32 @!p0 $0x0, s1;
	[sflag:s0] =	ssyncset.done @!p0 $0x0  }
0x62: {  	[sflag:s0] =	ssyncadd.s32 @!p0 s1  }
0x63: {  	[bflag:$0x3] =	sbarrier.arrive $0xFFFF  }
0x64: {  	_ =	shalt  }

</sc_bundles>
